<compile_context>
chip_gen: v7x
topology: tpu7x:2x2x1
jax: 0.10.2.dev20260603
libtpu: 0.0.44.dev20260713+nightly
codegen_flags: <defaults>
</compile_context>

<pallas_src>
import functools

import jax
import jax.numpy as jnp
from jax import lax
from jax.experimental import pallas as pl
from jax.experimental.pallas import tpu as pltpu
from jax.experimental.pallas import tpu_sc as plsc

B = 4
NUM_FEAT = 768
D1 = 24
D2 = 24
NMEM = 1024
MLEN = 16
GROUPS = NUM_FEAT // MLEN
NROWS = B * D1 * D2
NCHUNKS = NROWS * GROUPS

NCORES = 2
NSUB = 16
NW = NCORES * NSUB
CPW = NCHUNKS // NW
SUBB = 2
CPB = CPW // SUBB
LANES = 16

RB = 384
NSTEP = NROWS // RB


def _mnorm_block(mem_ref, mnorm_ref):
    mem = mem_ref[...]
    nrm = jnp.sqrt(jnp.sum(mem * mem, axis=1, keepdims=True))
    mnorm_ref[...] = mem / jnp.maximum(nrm, 1e-12)


SPATIAL = D1 * D2
NBLK = B * GROUPS
UNROLL = 2


def _argmax_block(x_ref, mnorm_ref, idx_ref):
    mnorm = mnorm_ref[...]
    for u in range(UNROLL):
        X = x_ref[u]
        xnrm = jnp.sqrt(jnp.sum(X * X, axis=0, keepdims=True))
        Xn = X / jnp.maximum(xnrm, 1e-12)
        sim = lax.dot_general(
            Xn, mnorm, (((0,), (1,)), ((), ())),
            preferred_element_type=jnp.float32)
        idx_ref[u] = jnp.argmax(sim, axis=1).reshape(1, SPATIAL)


def _tc_indices(xr, memory):
    mnorm = pl.pallas_call(
        _mnorm_block,
        out_shape=jax.ShapeDtypeStruct((NMEM, MLEN), jnp.float32),
    )(memory)
    return pl.pallas_call(
        _argmax_block,
        grid=(NBLK // UNROLL,),
        in_specs=[
            pl.BlockSpec((UNROLL, MLEN, SPATIAL), lambda i: (i, 0, 0)),
            pl.BlockSpec((NMEM, MLEN), lambda i: (0, 0)),
        ],
        out_specs=pl.BlockSpec((UNROLL, 1, SPATIAL), lambda i: (i, 0, 0)),
        out_shape=jax.ShapeDtypeStruct((NBLK, 1, SPATIAL), jnp.int32),
    )(xr, mnorm)


@functools.partial(
    pl.kernel,
    mesh=plsc.VectorSubcoreMesh(core_axis_name="c", subcore_axis_name="s"),
    out_type=jax.ShapeDtypeStruct((NCHUNKS * MLEN,), jnp.float32),
    scratch_types=[
        pltpu.VMEM((NMEM * MLEN,), jnp.float32),
        pltpu.VMEM((CPW,), jnp.int32),
        pltpu.VMEM((CPB * MLEN,), jnp.float32),
    ],
    compiler_params=pltpu.CompilerParams(needs_layout_passes=False),
)
def _sc_gather(table_hbm, idx_hbm, out_hbm, table_v, idx_v, out_v):
    wid = lax.axis_index("s") * NCORES + lax.axis_index("c")
    base = wid * CPW
    pltpu.sync_copy(table_hbm, table_v)
    pltpu.sync_copy(idx_hbm.at[pl.ds(base, CPW)], idx_v)
    posv = lax.broadcasted_iota(jnp.int32, (LANES,), 0) * MLEN

    for bt in range(SUBB):
        def j_body(j, carry):
            civ = idx_v[pl.ds(bt * CPB + j * LANES, LANES)]
            pos = posv + j * (LANES * MLEN)
            cbase = civ * MLEN
            for k in range(MLEN):
                g = plsc.load_gather(table_v, [cbase + k])
                plsc.store_scatter(out_v, [pos + k], g)
            return carry

        lax.fori_loop(0, CPB // LANES, j_body, 0)
        pltpu.sync_copy(
            out_v, out_hbm.at[pl.ds((base + bt * CPB) * MLEN, CPB * MLEN)])


@functools.partial(jax.jit, static_argnames=())
def kernel(x, memory):
    xr = x.reshape(NBLK, MLEN, SPATIAL)
    idx = _tc_indices(xr, memory)
    idxp = idx.reshape(B, GROUPS, SPATIAL).transpose(0, 2, 1).reshape(-1)
    out = _sc_gather(memory.reshape(-1), idxp)
    out = out.reshape(B, D1, D2, NUM_FEAT)
    return jnp.transpose(out, (0, 3, 1, 2))

# --- scband reference (transcript-rebuilt; emitter-appended) ---
"""Pipeline reference for scband-crumb-reconstructor-44281112821816 (READ-ONLY COPY).

The authoritative reference and input builder live on the scoring server;
editing this copy changes nothing except your own understanding.
"""

import jax, jax.numpy as jnp
import numpy as np

B = 4
NUM_FEAT = 768
D1 = 24
D2 = 24
NMEM = 1024
MLEN = 16


def _normalize(a, axis):
    n = jnp.linalg.norm(a, axis=axis, keepdims=True)
    return a / jnp.maximum(n, 1e-12)


def setup_inputs(seed: int = 0) -> dict:
    key = jax.random.key(seed)
    k1, k2 = jax.random.split(key)
    x = jax.random.normal(k1, (B, NUM_FEAT, D1, D2), dtype=jnp.float32)
    memory = jax.random.normal(k2, (NMEM, MLEN), dtype=jnp.float32)
    return {"x": x, "memory": memory}


def reference(x, memory):
    b = x.shape[0]
    # (B, C, H, W) -> (B, H, W, C) -> (-1, memblock_length)
    xp = jnp.transpose(x, (0, 2, 3, 1)).reshape(-1, MLEN)
    # cosine similarity between each memblock-length chunk and every codebook row
    sim = _normalize(xp, 1) @ _normalize(memory, 1).T
    ind = jnp.argmax(sim, axis=1)
    # read nearest memory block for each chunk (codebook gather)
    read = jnp.take(memory, ind, axis=0)
    out = read.reshape(b, D1, D2, NUM_FEAT)
    out = jnp.transpose(out, (0, 3, 1, 2))
    return out

if __name__ == "__main__":
    import jax
    _d = setup_inputs()
    print(jax.jit(kernel)(*tuple(_d.values())))

</pallas_src>

<mosaic_0001>
#map = affine_map<(d0, d1) -> (0)>
module attributes {stable_mosaic.version = 14 : i64} {
  func.func @_sc_gather(%arg0: i32, %arg1: i32, %arg2: memref<16384xf32, #tpu.memory_space<hbm>>, %arg3: memref<110592xi32, #tpu.memory_space<hbm>>, %arg4: memref<1769472xf32, #tpu.memory_space<hbm>>, %arg5: memref<16384xf32, #tpu.memory_space<vmem>>, %arg6: memref<3456xi32, #tpu.memory_space<vmem>>, %arg7: memref<27648xf32, #tpu.memory_space<vmem>>) attributes {dimension_semantics = [#tpu.dimension_semantics<core_parallel>, #tpu.dimension_semantics<subcore_parallel>], iteration_bounds = array<i64: 2, 16>, scalar_prefetch = 0 : i64, scratch_operands = 3 : i64, tpu.core_type = #tpu.core_type<sc_vector_subcore>, window_params = [{transform_indices = #map}, {transform_indices = #map}, {transform_indices = #map}]} {
    %mul3A = arith.constant 2 : i32
    %mul3A_0 = arith.muli %arg1, %mul3A : i32
    %add3A = arith.addi %mul3A_0, %arg0 : i32
    %mul3A_1 = arith.constant 3456 : i32
    %mul3A_2 = arith.muli %add3A, %mul3A_1 : i32
    "tpu.region"() ({
      %run_scoped3A = tpu.sem_alloc : memref<!tpu.dma_semaphore, #tpu.memory_space<semaphore_mem>>
      tpu.enqueue_dma source(%arg2 : memref<16384xf32, #tpu.memory_space<hbm>>) target(%arg5 : memref<16384xf32, #tpu.memory_space<vmem>>) target_semaphore(%run_scoped3A : memref<!tpu.dma_semaphore, #tpu.memory_space<semaphore_mem>>)
      tpu.wait_dma2 semaphore(%run_scoped3A : memref<!tpu.dma_semaphore, #tpu.memory_space<semaphore_mem>>) src(%arg2 : memref<16384xf32, #tpu.memory_space<hbm>>) dst(%arg5 : memref<16384xf32, #tpu.memory_space<vmem>>)
      tpu.yield
    }) : () -> ()
    "tpu.region"() ({
      %run_scoped3A = tpu.sem_alloc : memref<!tpu.dma_semaphore, #tpu.memory_space<semaphore_mem>>
      %dma_start3A = tpu.memref_slice %arg3[%mul3A_2] : memref<110592xi32, #tpu.memory_space<hbm>> -> memref<3456xi32, #tpu.memory_space<hbm>>
      %dma_start3A_25 = tpu.memref_slice %arg3[%mul3A_2] : memref<110592xi32, #tpu.memory_space<hbm>> -> memref<3456xi32, #tpu.memory_space<hbm>>
      tpu.enqueue_dma source(%dma_start3A_25 : memref<3456xi32, #tpu.memory_space<hbm>>) target(%arg6 : memref<3456xi32, #tpu.memory_space<vmem>>) target_semaphore(%run_scoped3A : memref<!tpu.dma_semaphore, #tpu.memory_space<semaphore_mem>>)
      %dma_wait3A = tpu.memref_slice %arg3[%mul3A_2] : memref<110592xi32, #tpu.memory_space<hbm>> -> memref<3456xi32, #tpu.memory_space<hbm>>
      %dma_wait3A_26 = tpu.memref_slice %arg3[%mul3A_2] : memref<110592xi32, #tpu.memory_space<hbm>> -> memref<3456xi32, #tpu.memory_space<hbm>>
      tpu.wait_dma2 semaphore(%run_scoped3A : memref<!tpu.dma_semaphore, #tpu.memory_space<semaphore_mem>>) src(%dma_wait3A_26 : memref<3456xi32, #tpu.memory_space<hbm>>) dst(%arg6 : memref<3456xi32, #tpu.memory_space<vmem>>)
      tpu.yield
    }) : () -> ()
    %iota3A = tpu.iota {dimensions = array<i32: 0>} : vector<16xi32>
    %mul3A_3 = arith.constant 16 : i32
    %mul3A_4 = vector.broadcast %mul3A_3 : i32 to vector<16xi32>
    %mul3A_5 = arith.muli %iota3A, %mul3A_4 : vector<16xi32>
    %scan3A = arith.constant 0 : i32
    %scan3A_6 = arith.constant 0 : i32
    %scan3A_7 = arith.constant 108 : i32
    %scan3A_8 = arith.addi %scan3A_6, %scan3A_7 : i32
    %scan3A_9 = arith.constant 1 : i32
    scf.for %scan3A_25 = %scan3A_6 to %scan3A_8 step %scan3A_9  : i32 {
      %mul3A_26 = arith.constant 16 : i32
      %mul3A_27 = arith.muli %scan3A_25, %mul3A_26 : i32
      %add3A_28 = arith.constant 0 : i32
      %add3A_29 = arith.addi %add3A_28, %mul3A_27 : i32
      %get3A = arith.index_cast %add3A_29 : i32 to index
      %get3A_30 = tpu.vector_load %arg6[%get3A] {strides = array<i32>} : memref<3456xi32, #tpu.memory_space<vmem>>, vector<16xi32>,
      %mul3A_31 = arith.constant 256 : i32
      %mul3A_32 = arith.muli %scan3A_25, %mul3A_31 : i32
      %add3A_33 = vector.broadcast %mul3A_32 : i32 to vector<16xi32>
      %add3A_34 = arith.addi %mul3A_5, %add3A_33 : vector<16xi32>
      %mul3A_35 = arith.constant 16 : i32
      %mul3A_36 = vector.broadcast %mul3A_35 : i32 to vector<16xi32>
      %mul3A_37 = arith.muli %get3A_30, %mul3A_36 : vector<16xi32>
      %add3A_38 = arith.constant 0 : i32
      %add3A_39 = vector.broadcast %add3A_38 : i32 to vector<16xi32>
      %add3A_40 = arith.addi %mul3A_37, %add3A_39 : vector<16xi32>
      %gather3A = tpu.vector_load_idx %arg5[%add3A_40] : memref<16384xf32, #tpu.memory_space<vmem>>[vector<16xi32>], vector<16xf32>,
      %add3A_41 = arith.constant 0 : i32
      %add3A_42 = vector.broadcast %add3A_41 : i32 to vector<16xi32>
      %add3A_43 = arith.addi %add3A_34, %add3A_42 : vector<16xi32>
      tpu.vector_store_idx %arg7[%add3A_43], %gather3A : memref<27648xf32, #tpu.memory_space<vmem>>[vector<16xi32>], vector<16xf32>,
      %add3A_44 = arith.constant 1 : i32
      %add3A_45 = vector.broadcast %add3A_44 : i32 to vector<16xi32>
      %add3A_46 = arith.addi %mul3A_37, %add3A_45 : vector<16xi32>
      %gather3A_47 = tpu.vector_load_idx %arg5[%add3A_46] : memref<16384xf32, #tpu.memory_space<vmem>>[vector<16xi32>], vector<16xf32>,
      %add3A_48 = arith.constant 1 : i32
      %add3A_49 = vector.broadcast %add3A_48 : i32 to vector<16xi32>
      %add3A_50 = arith.addi %add3A_34, %add3A_49 : vector<16xi32>
      tpu.vector_store_idx %arg7[%add3A_50], %gather3A_47 : memref<27648xf32, #tpu.memory_space<vmem>>[vector<16xi32>], vector<16xf32>,
      %add3A_51 = arith.constant 2 : i32
      %add3A_52 = vector.broadcast %add3A_51 : i32 to vector<16xi32>
      %add3A_53 = arith.addi %mul3A_37, %add3A_52 : vector<16xi32>
      %gather3A_54 = tpu.vector_load_idx %arg5[%add3A_53] : memref<16384xf32, #tpu.memory_space<vmem>>[vector<16xi32>], vector<16xf32>,
      %add3A_55 = arith.constant 2 : i32
      %add3A_56 = vector.broadcast %add3A_55 : i32 to vector<16xi32>
      %add3A_57 = arith.addi %add3A_34, %add3A_56 : vector<16xi32>
      tpu.vector_store_idx %arg7[%add3A_57], %gather3A_54 : memref<27648xf32, #tpu.memory_space<vmem>>[vector<16xi32>], vector<16xf32>,
      %add3A_58 = arith.constant 3 : i32
      %add3A_59 = vector.broadcast %add3A_58 : i32 to vector<16xi32>
      %add3A_60 = arith.addi %mul3A_37, %add3A_59 : vector<16xi32>
      %gather3A_61 = tpu.vector_load_idx %arg5[%add3A_60] : memref<16384xf32, #tpu.memory_space<vmem>>[vector<16xi32>], vector<16xf32>,
      %add3A_62 = arith.constant 3 : i32
      %add3A_63 = vector.broadcast %add3A_62 : i32 to vector<16xi32>
      %add3A_64 = arith.addi %add3A_34, %add3A_63 : vector<16xi32>
      tpu.vector_store_idx %arg7[%add3A_64], %gather3A_61 : memref<27648xf32, #tpu.memory_space<vmem>>[vector<16xi32>], vector<16xf32>,
      %add3A_65 = arith.constant 4 : i32
      %add3A_66 = vector.broadcast %add3A_65 : i32 to vector<16xi32>
      %add3A_67 = arith.addi %mul3A_37, %add3A_66 : vector<16xi32>
      %gather3A_68 = tpu.vector_load_idx %arg5[%add3A_67] : memref<16384xf32, #tpu.memory_space<vmem>>[vector<16xi32>], vector<16xf32>,
      %add3A_69 = arith.constant 4 : i32
      %add3A_70 = vector.broadcast %add3A_69 : i32 to vector<16xi32>
      %add3A_71 = arith.addi %add3A_34, %add3A_70 : vector<16xi32>
      tpu.vector_store_idx %arg7[%add3A_71], %gather3A_68 : memref<27648xf32, #tpu.memory_space<vmem>>[vector<16xi32>], vector<16xf32>,
      %add3A_72 = arith.constant 5 : i32
      %add3A_73 = vector.broadcast %add3A_72 : i32 to vector<16xi32>
      %add3A_74 = arith.addi %mul3A_37, %add3A_73 : vector<16xi32>
      %gather3A_75 = tpu.vector_load_idx %arg5[%add3A_74] : memref<16384xf32, #tpu.memory_space<vmem>>[vector<16xi32>], vector<16xf32>,
      %add3A_76 = arith.constant 5 : i32
      %add3A_77 = vector.broadcast %add3A_76 : i32 to vector<16xi32>
      %add3A_78 = arith.addi %add3A_34, %add3A_77 : vector<16xi32>
      tpu.vector_store_idx %arg7[%add3A_78], %gather3A_75 : memref<27648xf32, #tpu.memory_space<vmem>>[vector<16xi32>], vector<16xf32>,
      %add3A_79 = arith.constant 6 : i32
      %add3A_80 = vector.broadcast %add3A_79 : i32 to vector<16xi32>
      %add3A_81 = arith.addi %mul3A_37, %add3A_80 : vector<16xi32>
      %gather3A_82 = tpu.vector_load_idx %arg5[%add3A_81] : memref<16384xf32, #tpu.memory_space<vmem>>[vector<16xi32>], vector<16xf32>,
      %add3A_83 = arith.constant 6 : i32
      %add3A_84 = vector.broadcast %add3A_83 : i32 to vector<16xi32>
      %add3A_85 = arith.addi %add3A_34, %add3A_84 : vector<16xi32>
      tpu.vector_store_idx %arg7[%add3A_85], %gather3A_82 : memref<27648xf32, #tpu.memory_space<vmem>>[vector<16xi32>], vector<16xf32>,
      %add3A_86 = arith.constant 7 : i32
      %add3A_87 = vector.broadcast %add3A_86 : i32 to vector<16xi32>
      %add3A_88 = arith.addi %mul3A_37, %add3A_87 : vector<16xi32>
      %gather3A_89 = tpu.vector_load_idx %arg5[%add3A_88] : memref<16384xf32, #tpu.memory_space<vmem>>[vector<16xi32>], vector<16xf32>,
      %add3A_90 = arith.constant 7 : i32
      %add3A_91 = vector.broadcast %add3A_90 : i32 to vector<16xi32>
      %add3A_92 = arith.addi %add3A_34, %add3A_91 : vector<16xi32>
      tpu.vector_store_idx %arg7[%add3A_92], %gather3A_89 : memref<27648xf32, #tpu.memory_space<vmem>>[vector<16xi32>], vector<16xf32>,
      %add3A_93 = arith.constant 8 : i32
      %add3A_94 = vector.broadcast %add3A_93 : i32 to vector<16xi32>
      %add3A_95 = arith.addi %mul3A_37, %add3A_94 : vector<16xi32>
      %gather3A_96 = tpu.vector_load_idx %arg5[%add3A_95] : memref<16384xf32, #tpu.memory_space<vmem>>[vector<16xi32>], vector<16xf32>,
      %add3A_97 = arith.constant 8 : i32
      %add3A_98 = vector.broadcast %add3A_97 : i32 to vector<16xi32>
      %add3A_99 = arith.addi %add3A_34, %add3A_98 : vector<16xi32>
      tpu.vector_store_idx %arg7[%add3A_99], %gather3A_96 : memref<27648xf32, #tpu.memory_space<vmem>>[vector<16xi32>], vector<16xf32>,
      %add3A_100 = arith.constant 9 : i32
      %add3A_101 = vector.broadcast %add3A_100 : i32 to vector<16xi32>
      %add3A_102 = arith.addi %mul3A_37, %add3A_101 : vector<16xi32>
      %gather3A_103 = tpu.vector_load_idx %arg5[%add3A_102] : memref<16384xf32, #tpu.memory_space<vmem>>[vector<16xi32>], vector<16xf32>,
      %add3A_104 = arith.constant 9 : i32
      %add3A_105 = vector.broadcast %add3A_104 : i32 to vector<16xi32>
      %add3A_106 = arith.addi %add3A_34, %add3A_105 : vector<16xi32>
      tpu.vector_store_idx %arg7[%add3A_106], %gather3A_103 : memref<27648xf32, #tpu.memory_space<vmem>>[vector<16xi32>], vector<16xf32>,
      %add3A_107 = arith.constant 10 : i32
      %add3A_108 = vector.broadcast %add3A_107 : i32 to vector<16xi32>
      %add3A_109 = arith.addi %mul3A_37, %add3A_108 : vector<16xi32>
      %gather3A_110 = tpu.vector_load_idx %arg5[%add3A_109] : memref<16384xf32, #tpu.memory_space<vmem>>[vector<16xi32>], vector<16xf32>,
      %add3A_111 = arith.constant 10 : i32
      %add3A_112 = vector.broadcast %add3A_111 : i32 to vector<16xi32>
      %add3A_113 = arith.addi %add3A_34, %add3A_112 : vector<16xi32>
      tpu.vector_store_idx %arg7[%add3A_113], %gather3A_110 : memref<27648xf32, #tpu.memory_space<vmem>>[vector<16xi32>], vector<16xf32>,
      %add3A_114 = arith.constant 11 : i32
      %add3A_115 = vector.broadcast %add3A_114 : i32 to vector<16xi32>
      %add3A_116 = arith.addi %mul3A_37, %add3A_115 : vector<16xi32>
      %gather3A_117 = tpu.vector_load_idx %arg5[%add3A_116] : memref<16384xf32, #tpu.memory_space<vmem>>[vector<16xi32>], vector<16xf32>,
      %add3A_118 = arith.constant 11 : i32
      %add3A_119 = vector.broadcast %add3A_118 : i32 to vector<16xi32>
      %add3A_120 = arith.addi %add3A_34, %add3A_119 : vector<16xi32>
      tpu.vector_store_idx %arg7[%add3A_120], %gather3A_117 : memref<27648xf32, #tpu.memory_space<vmem>>[vector<16xi32>], vector<16xf32>,
      %add3A_121 = arith.constant 12 : i32
      %add3A_122 = vector.broadcast %add3A_121 : i32 to vector<16xi32>
      %add3A_123 = arith.addi %mul3A_37, %add3A_122 : vector<16xi32>
      %gather3A_124 = tpu.vector_load_idx %arg5[%add3A_123] : memref<16384xf32, #tpu.memory_space<vmem>>[vector<16xi32>], vector<16xf32>,
      %add3A_125 = arith.constant 12 : i32
      %add3A_126 = vector.broadcast %add3A_125 : i32 to vector<16xi32>
      %add3A_127 = arith.addi %add3A_34, %add3A_126 : vector<16xi32>
      tpu.vector_store_idx %arg7[%add3A_127], %gather3A_124 : memref<27648xf32, #tpu.memory_space<vmem>>[vector<16xi32>], vector<16xf32>,
      %add3A_128 = arith.constant 13 : i32
      %add3A_129 = vector.broadcast %add3A_128 : i32 to vector<16xi32>
      %add3A_130 = arith.addi %mul3A_37, %add3A_129 : vector<16xi32>
      %gather3A_131 = tpu.vector_load_idx %arg5[%add3A_130] : memref<16384xf32, #tpu.memory_space<vmem>>[vector<16xi32>], vector<16xf32>,
      %add3A_132 = arith.constant 13 : i32
      %add3A_133 = vector.broadcast %add3A_132 : i32 to vector<16xi32>
      %add3A_134 = arith.addi %add3A_34, %add3A_133 : vector<16xi32>
      tpu.vector_store_idx %arg7[%add3A_134], %gather3A_131 : memref<27648xf32, #tpu.memory_space<vmem>>[vector<16xi32>], vector<16xf32>,
      %add3A_135 = arith.constant 14 : i32
      %add3A_136 = vector.broadcast %add3A_135 : i32 to vector<16xi32>
      %add3A_137 = arith.addi %mul3A_37, %add3A_136 : vector<16xi32>
      %gather3A_138 = tpu.vector_load_idx %arg5[%add3A_137] : memref<16384xf32, #tpu.memory_space<vmem>>[vector<16xi32>], vector<16xf32>,
      %add3A_139 = arith.constant 14 : i32
      %add3A_140 = vector.broadcast %add3A_139 : i32 to vector<16xi32>
      %add3A_141 = arith.addi %add3A_34, %add3A_140 : vector<16xi32>
      tpu.vector_store_idx %arg7[%add3A_141], %gather3A_138 : memref<27648xf32, #tpu.memory_space<vmem>>[vector<16xi32>], vector<16xf32>,
      %add3A_142 = arith.constant 15 : i32
      %add3A_143 = vector.broadcast %add3A_142 : i32 to vector<16xi32>
      %add3A_144 = arith.addi %mul3A_37, %add3A_143 : vector<16xi32>
      %gather3A_145 = tpu.vector_load_idx %arg5[%add3A_144] : memref<16384xf32, #tpu.memory_space<vmem>>[vector<16xi32>], vector<16xf32>,
      %add3A_146 = arith.constant 15 : i32
      %add3A_147 = vector.broadcast %add3A_146 : i32 to vector<16xi32>
      %add3A_148 = arith.addi %add3A_34, %add3A_147 : vector<16xi32>
      tpu.vector_store_idx %arg7[%add3A_148], %gather3A_145 : memref<27648xf32, #tpu.memory_space<vmem>>[vector<16xi32>], vector<16xf32>,
    }
    %scan3A_10 = arith.constant 108 : i32
    %add3A_11 = arith.constant 0 : i32
    %add3A_12 = arith.addi %mul3A_2, %add3A_11 : i32
    %mul3A_13 = arith.constant 16 : i32
    %mul3A_14 = arith.muli %add3A_12, %mul3A_13 : i32
    "tpu.region"() ({
      %run_scoped3A = tpu.sem_alloc : memref<!tpu.dma_semaphore, #tpu.memory_space<semaphore_mem>>
      %dma_start3A = tpu.memref_slice %arg4[%mul3A_14] : memref<1769472xf32, #tpu.memory_space<hbm>> -> memref<27648xf32, #tpu.memory_space<hbm>>
      %dma_start3A_25 = tpu.memref_slice %arg4[%mul3A_14] : memref<1769472xf32, #tpu.memory_space<hbm>> -> memref<27648xf32, #tpu.memory_space<hbm>>
      tpu.enqueue_dma source(%arg7 : memref<27648xf32, #tpu.memory_space<vmem>>) target(%dma_start3A_25 : memref<27648xf32, #tpu.memory_space<hbm>>) target_semaphore(%run_scoped3A : memref<!tpu.dma_semaphore, #tpu.memory_space<semaphore_mem>>)
      %dma_wait3A = tpu.memref_slice %arg4[%mul3A_14] : memref<1769472xf32, #tpu.memory_space<hbm>> -> memref<27648xf32, #tpu.memory_space<hbm>>
      %dma_wait3A_26 = tpu.memref_slice %arg4[%mul3A_14] : memref<1769472xf32, #tpu.memory_space<hbm>> -> memref<27648xf32, #tpu.memory_space<hbm>>
      tpu.wait_dma2 semaphore(%run_scoped3A : memref<!tpu.dma_semaphore, #tpu.memory_space<semaphore_mem>>) src(%arg7 : memref<27648xf32, #tpu.memory_space<vmem>>) dst(%dma_wait3A_26 : memref<27648xf32, #tpu.memory_space<hbm>>)
      tpu.yield
    }) : () -> ()
    %scan3A_15 = arith.constant 0 : i32
    %scan3A_16 = arith.constant 0 : i32
    %scan3A_17 = arith.constant 108 : i32
    %scan3A_18 = arith.addi %scan3A_16, %scan3A_17 : i32
    %scan3A_19 = arith.constant 1 : i32
    scf.for %scan3A_25 = %scan3A_16 to %scan3A_18 step %scan3A_19  : i32 {
      %mul3A_26 = arith.constant 16 : i32
      %mul3A_27 = arith.muli %scan3A_25, %mul3A_26 : i32
      %add3A_28 = arith.constant 1728 : i32
      %add3A_29 = arith.addi %add3A_28, %mul3A_27 : i32
      %get3A = arith.index_cast %add3A_29 : i32 to index
      %get3A_30 = tpu.vector_load %arg6[%get3A] {strides = array<i32>} : memref<3456xi32, #tpu.memory_space<vmem>>, vector<16xi32>,
      %mul3A_31 = arith.constant 256 : i32
      %mul3A_32 = arith.muli %scan3A_25, %mul3A_31 : i32
      %add3A_33 = vector.broadcast %mul3A_32 : i32 to vector<16xi32>
      %add3A_34 = arith.addi %mul3A_5, %add3A_33 : vector<16xi32>
      %mul3A_35 = arith.constant 16 : i32
      %mul3A_36 = vector.broadcast %mul3A_35 : i32 to vector<16xi32>
      %mul3A_37 = arith.muli %get3A_30, %mul3A_36 : vector<16xi32>
      %add3A_38 = arith.constant 0 : i32
      %add3A_39 = vector.broadcast %add3A_38 : i32 to vector<16xi32>
      %add3A_40 = arith.addi %mul3A_37, %add3A_39 : vector<16xi32>
      %gather3A = tpu.vector_load_idx %arg5[%add3A_40] : memref<16384xf32, #tpu.memory_space<vmem>>[vector<16xi32>], vector<16xf32>,
      %add3A_41 = arith.constant 0 : i32
      %add3A_42 = vector.broadcast %add3A_41 : i32 to vector<16xi32>
      %add3A_43 = arith.addi %add3A_34, %add3A_42 : vector<16xi32>
      tpu.vector_store_idx %arg7[%add3A_43], %gather3A : memref<27648xf32, #tpu.memory_space<vmem>>[vector<16xi32>], vector<16xf32>,
      %add3A_44 = arith.constant 1 : i32
      %add3A_45 = vector.broadcast %add3A_44 : i32 to vector<16xi32>
      %add3A_46 = arith.addi %mul3A_37, %add3A_45 : vector<16xi32>
      %gather3A_47 = tpu.vector_load_idx %arg5[%add3A_46] : memref<16384xf32, #tpu.memory_space<vmem>>[vector<16xi32>], vector<16xf32>,
      %add3A_48 = arith.constant 1 : i32
      %add3A_49 = vector.broadcast %add3A_48 : i32 to vector<16xi32>
      %add3A_50 = arith.addi %add3A_34, %add3A_49 : vector<16xi32>
      tpu.vector_store_idx %arg7[%add3A_50], %gather3A_47 : memref<27648xf32, #tpu.memory_space<vmem>>[vector<16xi32>], vector<16xf32>,
      %add3A_51 = arith.constant 2 : i32
      %add3A_52 = vector.broadcast %add3A_51 : i32 to vector<16xi32>
      %add3A_53 = arith.addi %mul3A_37, %add3A_52 : vector<16xi32>
      %gather3A_54 = tpu.vector_load_idx %arg5[%add3A_53] : memref<16384xf32, #tpu.memory_space<vmem>>[vector<16xi32>], vector<16xf32>,
      %add3A_55 = arith.constant 2 : i32
      %add3A_56 = vector.broadcast %add3A_55 : i32 to vector<16xi32>
      %add3A_57 = arith.addi %add3A_34, %add3A_56 : vector<16xi32>
      tpu.vector_store_idx %arg7[%add3A_57], %gather3A_54 : memref<27648xf32, #tpu.memory_space<vmem>>[vector<16xi32>], vector<16xf32>,
      %add3A_58 = arith.constant 3 : i32
      %add3A_59 = vector.broadcast %add3A_58 : i32 to vector<16xi32>
      %add3A_60 = arith.addi %mul3A_37, %add3A_59 : vector<16xi32>
      %gather3A_61 = tpu.vector_load_idx %arg5[%add3A_60] : memref<16384xf32, #tpu.memory_space<vmem>>[vector<16xi32>], vector<16xf32>,
      %add3A_62 = arith.constant 3 : i32
      %add3A_63 = vector.broadcast %add3A_62 : i32 to vector<16xi32>
      %add3A_64 = arith.addi %add3A_34, %add3A_63 : vector<16xi32>
      tpu.vector_store_idx %arg7[%add3A_64], %gather3A_61 : memref<27648xf32, #tpu.memory_space<vmem>>[vector<16xi32>], vector<16xf32>,
      %add3A_65 = arith.constant 4 : i32
      %add3A_66 = vector.broadcast %add3A_65 : i32 to vector<16xi32>
      %add3A_67 = arith.addi %mul3A_37, %add3A_66 : vector<16xi32>
      %gather3A_68 = tpu.vector_load_idx %arg5[%add3A_67] : memref<16384xf32, #tpu.memory_space<vmem>>[vector<16xi32>], vector<16xf32>,
      %add3A_69 = arith.constant 4 : i32
      %add3A_70 = vector.broadcast %add3A_69 : i32 to vector<16xi32>
      %add3A_71 = arith.addi %add3A_34, %add3A_70 : vector<16xi32>
      tpu.vector_store_idx %arg7[%add3A_71], %gather3A_68 : memref<27648xf32, #tpu.memory_space<vmem>>[vector<16xi32>], vector<16xf32>,
      %add3A_72 = arith.constant 5 : i32
      %add3A_73 = vector.broadcast %add3A_72 : i32 to vector<16xi32>
      %add3A_74 = arith.addi %mul3A_37, %add3A_73 : vector<16xi32>
      %gather3A_75 = tpu.vector_load_idx %arg5[%add3A_74] : memref<16384xf32, #tpu.memory_space<vmem>>[vector<16xi32>], vector<16xf32>,
      %add3A_76 = arith.constant 5 : i32
      %add3A_77 = vector.broadcast %add3A_76 : i32 to vector<16xi32>
      %add3A_78 = arith.addi %add3A_34, %add3A_77 : vector<16xi32>
      tpu.vector_store_idx %arg7[%add3A_78], %gather3A_75 : memref<27648xf32, #tpu.memory_space<vmem>>[vector<16xi32>], vector<16xf32>,
      %add3A_79 = arith.constant 6 : i32
      %add3A_80 = vector.broadcast %add3A_79 : i32 to vector<16xi32>
      %add3A_81 = arith.addi %mul3A_37, %add3A_80 : vector<16xi32>
      %gather3A_82 = tpu.vector_load_idx %arg5[%add3A_81] : memref<16384xf32, #tpu.memory_space<vmem>>[vector<16xi32>], vector<16xf32>,
      %add3A_83 = arith.constant 6 : i32
      %add3A_84 = vector.broadcast %add3A_83 : i32 to vector<16xi32>
      %add3A_85 = arith.addi %add3A_34, %add3A_84 : vector<16xi32>
      tpu.vector_store_idx %arg7[%add3A_85], %gather3A_82 : memref<27648xf32, #tpu.memory_space<vmem>>[vector<16xi32>], vector<16xf32>,
      %add3A_86 = arith.constant 7 : i32
      %add3A_87 = vector.broadcast %add3A_86 : i32 to vector<16xi32>
      %add3A_88 = arith.addi %mul3A_37, %add3A_87 : vector<16xi32>
      %gather3A_89 = tpu.vector_load_idx %arg5[%add3A_88] : memref<16384xf32, #tpu.memory_space<vmem>>[vector<16xi32>], vector<16xf32>,
      %add3A_90 = arith.constant 7 : i32
      %add3A_91 = vector.broadcast %add3A_90 : i32 to vector<16xi32>
      %add3A_92 = arith.addi %add3A_34, %add3A_91 : vector<16xi32>
      tpu.vector_store_idx %arg7[%add3A_92], %gather3A_89 : memref<27648xf32, #tpu.memory_space<vmem>>[vector<16xi32>], vector<16xf32>,
      %add3A_93 = arith.constant 8 : i32
      %add3A_94 = vector.broadcast %add3A_93 : i32 to vector<16xi32>
      %add3A_95 = arith.addi %mul3A_37, %add3A_94 : vector<16xi32>
      %gather3A_96 = tpu.vector_load_idx %arg5[%add3A_95] : memref<16384xf32, #tpu.memory_space<vmem>>[vector<16xi32>], vector<16xf32>,
      %add3A_97 = arith.constant 8 : i32
      %add3A_98 = vector.broadcast %add3A_97 : i32 to vector<16xi32>
      %add3A_99 = arith.addi %add3A_34, %add3A_98 : vector<16xi32>
      tpu.vector_store_idx %arg7[%add3A_99], %gather3A_96 : memref<27648xf32, #tpu.memory_space<vmem>>[vector<16xi32>], vector<16xf32>,
      %add3A_100 = arith.constant 9 : i32
      %add3A_101 = vector.broadcast %add3A_100 : i32 to vector<16xi32>
      %add3A_102 = arith.addi %mul3A_37, %add3A_101 : vector<16xi32>
      %gather3A_103 = tpu.vector_load_idx %arg5[%add3A_102] : memref<16384xf32, #tpu.memory_space<vmem>>[vector<16xi32>], vector<16xf32>,
      %add3A_104 = arith.constant 9 : i32
      %add3A_105 = vector.broadcast %add3A_104 : i32 to vector<16xi32>
      %add3A_106 = arith.addi %add3A_34, %add3A_105 : vector<16xi32>
      tpu.vector_store_idx %arg7[%add3A_106], %gather3A_103 : memref<27648xf32, #tpu.memory_space<vmem>>[vector<16xi32>], vector<16xf32>,
      %add3A_107 = arith.constant 10 : i32
      %add3A_108 = vector.broadcast %add3A_107 : i32 to vector<16xi32>
      %add3A_109 = arith.addi %mul3A_37, %add3A_108 : vector<16xi32>
      %gather3A_110 = tpu.vector_load_idx %arg5[%add3A_109] : memref<16384xf32, #tpu.memory_space<vmem>>[vector<16xi32>], vector<16xf32>,
      %add3A_111 = arith.constant 10 : i32
      %add3A_112 = vector.broadcast %add3A_111 : i32 to vector<16xi32>
      %add3A_113 = arith.addi %add3A_34, %add3A_112 : vector<16xi32>
      tpu.vector_store_idx %arg7[%add3A_113], %gather3A_110 : memref<27648xf32, #tpu.memory_space<vmem>>[vector<16xi32>], vector<16xf32>,
      %add3A_114 = arith.constant 11 : i32
      %add3A_115 = vector.broadcast %add3A_114 : i32 to vector<16xi32>
      %add3A_116 = arith.addi %mul3A_37, %add3A_115 : vector<16xi32>
      %gather3A_117 = tpu.vector_load_idx %arg5[%add3A_116] : memref<16384xf32, #tpu.memory_space<vmem>>[vector<16xi32>], vector<16xf32>,
      %add3A_118 = arith.constant 11 : i32
      %add3A_119 = vector.broadcast %add3A_118 : i32 to vector<16xi32>
      %add3A_120 = arith.addi %add3A_34, %add3A_119 : vector<16xi32>
      tpu.vector_store_idx %arg7[%add3A_120], %gather3A_117 : memref<27648xf32, #tpu.memory_space<vmem>>[vector<16xi32>], vector<16xf32>,
      %add3A_121 = arith.constant 12 : i32
      %add3A_122 = vector.broadcast %add3A_121 : i32 to vector<16xi32>
      %add3A_123 = arith.addi %mul3A_37, %add3A_122 : vector<16xi32>
      %gather3A_124 = tpu.vector_load_idx %arg5[%add3A_123] : memref<16384xf32, #tpu.memory_space<vmem>>[vector<16xi32>], vector<16xf32>,
      %add3A_125 = arith.constant 12 : i32
      %add3A_126 = vector.broadcast %add3A_125 : i32 to vector<16xi32>
      %add3A_127 = arith.addi %add3A_34, %add3A_126 : vector<16xi32>
      tpu.vector_store_idx %arg7[%add3A_127], %gather3A_124 : memref<27648xf32, #tpu.memory_space<vmem>>[vector<16xi32>], vector<16xf32>,
      %add3A_128 = arith.constant 13 : i32
      %add3A_129 = vector.broadcast %add3A_128 : i32 to vector<16xi32>
      %add3A_130 = arith.addi %mul3A_37, %add3A_129 : vector<16xi32>
      %gather3A_131 = tpu.vector_load_idx %arg5[%add3A_130] : memref<16384xf32, #tpu.memory_space<vmem>>[vector<16xi32>], vector<16xf32>,
      %add3A_132 = arith.constant 13 : i32
      %add3A_133 = vector.broadcast %add3A_132 : i32 to vector<16xi32>
      %add3A_134 = arith.addi %add3A_34, %add3A_133 : vector<16xi32>
      tpu.vector_store_idx %arg7[%add3A_134], %gather3A_131 : memref<27648xf32, #tpu.memory_space<vmem>>[vector<16xi32>], vector<16xf32>,
      %add3A_135 = arith.constant 14 : i32
      %add3A_136 = vector.broadcast %add3A_135 : i32 to vector<16xi32>
      %add3A_137 = arith.addi %mul3A_37, %add3A_136 : vector<16xi32>
      %gather3A_138 = tpu.vector_load_idx %arg5[%add3A_137] : memref<16384xf32, #tpu.memory_space<vmem>>[vector<16xi32>], vector<16xf32>,
      %add3A_139 = arith.constant 14 : i32
      %add3A_140 = vector.broadcast %add3A_139 : i32 to vector<16xi32>
      %add3A_141 = arith.addi %add3A_34, %add3A_140 : vector<16xi32>
      tpu.vector_store_idx %arg7[%add3A_141], %gather3A_138 : memref<27648xf32, #tpu.memory_space<vmem>>[vector<16xi32>], vector<16xf32>,
      %add3A_142 = arith.constant 15 : i32
      %add3A_143 = vector.broadcast %add3A_142 : i32 to vector<16xi32>
      %add3A_144 = arith.addi %mul3A_37, %add3A_143 : vector<16xi32>
      %gather3A_145 = tpu.vector_load_idx %arg5[%add3A_144] : memref<16384xf32, #tpu.memory_space<vmem>>[vector<16xi32>], vector<16xf32>,
      %add3A_146 = arith.constant 15 : i32
      %add3A_147 = vector.broadcast %add3A_146 : i32 to vector<16xi32>
      %add3A_148 = arith.addi %add3A_34, %add3A_147 : vector<16xi32>
      tpu.vector_store_idx %arg7[%add3A_148], %gather3A_145 : memref<27648xf32, #tpu.memory_space<vmem>>[vector<16xi32>], vector<16xf32>,
    }
    %scan3A_20 = arith.constant 108 : i32
    %add3A_21 = arith.constant 1728 : i32
    %add3A_22 = arith.addi %mul3A_2, %add3A_21 : i32
    %mul3A_23 = arith.constant 16 : i32
    %mul3A_24 = arith.muli %add3A_22, %mul3A_23 : i32
    "tpu.region"() ({
      %run_scoped3A = tpu.sem_alloc : memref<!tpu.dma_semaphore, #tpu.memory_space<semaphore_mem>>
      %dma_start3A = tpu.memref_slice %arg4[%mul3A_24] : memref<1769472xf32, #tpu.memory_space<hbm>> -> memref<27648xf32, #tpu.memory_space<hbm>>
      %dma_start3A_25 = tpu.memref_slice %arg4[%mul3A_24] : memref<1769472xf32, #tpu.memory_space<hbm>> -> memref<27648xf32, #tpu.memory_space<hbm>>
      tpu.enqueue_dma source(%arg7 : memref<27648xf32, #tpu.memory_space<vmem>>) target(%dma_start3A_25 : memref<27648xf32, #tpu.memory_space<hbm>>) target_semaphore(%run_scoped3A : memref<!tpu.dma_semaphore, #tpu.memory_space<semaphore_mem>>)
      %dma_wait3A = tpu.memref_slice %arg4[%mul3A_24] : memref<1769472xf32, #tpu.memory_space<hbm>> -> memref<27648xf32, #tpu.memory_space<hbm>>
      %dma_wait3A_26 = tpu.memref_slice %arg4[%mul3A_24] : memref<1769472xf32, #tpu.memory_space<hbm>> -> memref<27648xf32, #tpu.memory_space<hbm>>
      tpu.wait_dma2 semaphore(%run_scoped3A : memref<!tpu.dma_semaphore, #tpu.memory_space<semaphore_mem>>) src(%arg7 : memref<27648xf32, #tpu.memory_space<vmem>>) dst(%dma_wait3A_26 : memref<27648xf32, #tpu.memory_space<hbm>>)
      tpu.yield
    }) : () -> ()
    return
  }
}

module attributes {stable_mosaic.version = 14 : i64} {
  func.func @_mnorm_block(%arg0: memref<1024x16xf32, #tpu.memory_space<vmem>>, %arg1: memref<1024x16xf32, #tpu.memory_space<vmem>>) attributes {dimension_semantics = [], scalar_prefetch = 0 : i64, scratch_operands = 0 : i64, tpu.core_type = #tpu.core_type<tc>} {
    %get3A = arith.constant 0 : index
    %get3A_0 = arith.constant 0 : index
    %get3A_1 = vector.load %arg0[%get3A, %get3A_0] : memref<1024x16xf32, #tpu.memory_space<vmem>>, vector<1024x16xf32>
    %mul3A = arith.mulf %get3A_1, %get3A_1 : vector<1024x16xf32>
    %reduce_sum3A = arith.constant dense<0.000000e+00> : vector<1024xf32>
    %reduce_sum3A_2 = vector.multi_reduction <add>, %mul3A, %reduce_sum3A [1] : vector<1024x16xf32> to vector<1024xf32>
    %broadcast_in_dim3A = vector.shape_cast %reduce_sum3A_2 : vector<1024xf32> to vector<1024x1xf32>
    %sqrt3A = math.sqrt %broadcast_in_dim3A : vector<1024x1xf32>
    %max3A = arith.constant 9.99999996E-13 : f32
    %max3A_3 = vector.broadcast %max3A : f32 to vector<1024x1xf32>
    %max3A_4 = arith.maximumf %sqrt3A, %max3A_3 : vector<1024x1xf32>
    %div3A = vector.broadcast %max3A_4 : vector<1024x1xf32> to vector<1024x16xf32>
    %div3A_5 = arith.divf %get3A_1, %div3A : vector<1024x16xf32>
    %swap3A = arith.constant 0 : index
    %swap3A_6 = arith.constant 0 : index
    %swap3A_7 = vector.load %arg1[%swap3A, %swap3A_6] : memref<1024x16xf32, #tpu.memory_space<vmem>>, vector<1024x16xf32>
    tpu.vector_store %arg1[%swap3A, %swap3A_6], %div3A_5 {strides = array<i32>} : memref<1024x16xf32, #tpu.memory_space<vmem>>, vector<1024x16xf32>,
    return
  }
}

module attributes {stable_mosaic.version = 14 : i64} {
  func.func @_argmax_block(%arg0: i32, %arg1: memref<2x16x576xf32, #tpu.memory_space<vmem>>, %arg2: memref<1024x16xf32, #tpu.memory_space<vmem>>, %arg3: memref<2x1x576xi32, #tpu.memory_space<vmem>>) attributes {dimension_semantics = [#tpu.dimension_semantics<arbitrary>], iteration_bounds = array<i64: 96>, scalar_prefetch = 0 : i64, scratch_operands = 0 : i64, tpu.core_type = #tpu.core_type<tc>, window_params = [{transform_indices = @transform_0, window_bounds = array<i64: 2, 16, 576>}, {pipeline_mode = #tpu.pipeline_mode<synchronous>, transform_indices = @transform_1, window_bounds = array<i64: 1024, 16>}, {transform_indices = @transform_2, window_bounds = array<i64: 2, 1, 576>}]} {
    %get3A = arith.constant 0 : index
    %get3A_0 = arith.constant 0 : index
    %get3A_1 = vector.load %arg2[%get3A, %get3A_0] : memref<1024x16xf32, #tpu.memory_space<vmem>>, vector<1024x16xf32>
    %get3A_2 = arith.constant 0 : index
    %get3A_3 = arith.constant 0 : index
    %get3A_4 = arith.constant 0 : index
    %get3A_5 = vector.load %arg1[%get3A_2, %get3A_3, %get3A_4] : memref<2x16x576xf32, #tpu.memory_space<vmem>>, vector<1x16x576xf32>
    %get3A_6 = vector.shape_cast %get3A_5 : vector<1x16x576xf32> to vector<16x576xf32>
    %mul3A = arith.mulf %get3A_6, %get3A_6 : vector<16x576xf32>
    %reduce_sum3A = arith.constant dense<0.000000e+00> : vector<576xf32>
    %reduce_sum3A_7 = vector.multi_reduction <add>, %mul3A, %reduce_sum3A [0] : vector<16x576xf32> to vector<576xf32>
    %broadcast_in_dim3A = vector.shape_cast %reduce_sum3A_7 : vector<576xf32> to vector<1x576xf32>
    %sqrt3A = math.sqrt %broadcast_in_dim3A : vector<1x576xf32>
    %max3A = arith.constant 9.99999996E-13 : f32
    %max3A_8 = vector.broadcast %max3A : f32 to vector<1x576xf32>
    %max3A_9 = arith.maximumf %sqrt3A, %max3A_8 : vector<1x576xf32>
    %div3A = vector.broadcast %max3A_9 : vector<1x576xf32> to vector<16x576xf32>
    %div3A_10 = arith.divf %get3A_6, %div3A : vector<16x576xf32>
    %dot_general3A = arith.constant dense<0.000000e+00> : vector<576x1024xf32>
    %dot_general3A_11 = tpu.matmul %div3A_10, %get3A_1, %dot_general3A {dimension_numbers = #tpu.dot_dimension_numbers<[0], [1], [1], [0], [0, 1, 1, 0], [], []>, transpose_lhs_hint = false} : vector<16x576xf32>, vector<1024x16xf32>, vector<576x1024xf32> -> vector<576x1024xf32>
    %argmax3A = tpu.reduce_index %dot_general3A_11 {axis = 1 : i32, kind = #tpu.reduction_kind<arg_max>} : vector<576x1024xf32> -> vector<576xi32>
    %reshape3A = vector.shape_cast %argmax3A : vector<576xi32> to vector<1x576xi32>
    %swap3A = arith.constant 0 : index
    %swap3A_12 = arith.constant 0 : index
    %swap3A_13 = arith.constant 0 : index
    %swap3A_14 = vector.load %arg3[%swap3A, %swap3A_12, %swap3A_13] : memref<2x1x576xi32, #tpu.memory_space<vmem>>, vector<1x1x576xi32>
    %swap3A_15 = vector.shape_cast %swap3A_14 : vector<1x1x576xi32> to vector<1x576xi32>
    %swap3A_16 = vector.shape_cast %reshape3A : vector<1x576xi32> to vector<1x1x576xi32>
    tpu.vector_store %arg3[%swap3A, %swap3A_12, %swap3A_13], %swap3A_16 {strides = array<i32>} : memref<2x1x576xi32, #tpu.memory_space<vmem>>, vector<1x1x576xi32>,
    %get3A_17 = arith.constant 1 : index
    %get3A_18 = arith.constant 0 : index
    %get3A_19 = arith.constant 0 : index
    %get3A_20 = vector.load %arg1[%get3A_17, %get3A_18, %get3A_19] : memref<2x16x576xf32, #tpu.memory_space<vmem>>, vector<1x16x576xf32>
    %get3A_21 = vector.shape_cast %get3A_20 : vector<1x16x576xf32> to vector<16x576xf32>
    %mul3A_22 = arith.mulf %get3A_21, %get3A_21 : vector<16x576xf32>
    %reduce_sum3A_23 = arith.constant dense<0.000000e+00> : vector<576xf32>
    %reduce_sum3A_24 = vector.multi_reduction <add>, %mul3A_22, %reduce_sum3A_23 [0] : vector<16x576xf32> to vector<576xf32>
    %broadcast_in_dim3A_25 = vector.shape_cast %reduce_sum3A_24 : vector<576xf32> to vector<1x576xf32>
    %sqrt3A_26 = math.sqrt %broadcast_in_dim3A_25 : vector<1x576xf32>
    %max3A_27 = arith.constant 9.99999996E-13 : f32
    %max3A_28 = vector.broadcast %max3A_27 : f32 to vector<1x576xf32>
    %max3A_29 = arith.maximumf %sqrt3A_26, %max3A_28 : vector<1x576xf32>
    %div3A_30 = vector.broadcast %max3A_29 : vector<1x576xf32> to vector<16x576xf32>
    %div3A_31 = arith.divf %get3A_21, %div3A_30 : vector<16x576xf32>
    %dot_general3A_32 = arith.constant dense<0.000000e+00> : vector<576x1024xf32>
    %dot_general3A_33 = tpu.matmul %div3A_31, %get3A_1, %dot_general3A_32 {dimension_numbers = #tpu.dot_dimension_numbers<[0], [1], [1], [0], [0, 1, 1, 0], [], []>, transpose_lhs_hint = false} : vector<16x576xf32>, vector<1024x16xf32>, vector<576x1024xf32> -> vector<576x1024xf32>
    %argmax3A_34 = tpu.reduce_index %dot_general3A_33 {axis = 1 : i32, kind = #tpu.reduction_kind<arg_max>} : vector<576x1024xf32> -> vector<576xi32>
    %reshape3A_35 = vector.shape_cast %argmax3A_34 : vector<576xi32> to vector<1x576xi32>
    %swap3A_36 = arith.constant 1 : index
    %swap3A_37 = arith.constant 0 : index
    %swap3A_38 = arith.constant 0 : index
    %swap3A_39 = vector.load %arg3[%swap3A_36, %swap3A_37, %swap3A_38] : memref<2x1x576xi32, #tpu.memory_space<vmem>>, vector<1x1x576xi32>
    %swap3A_40 = vector.shape_cast %swap3A_39 : vector<1x1x576xi32> to vector<1x576xi32>
    %swap3A_41 = vector.shape_cast %reshape3A_35 : vector<1x576xi32> to vector<1x1x576xi32>
    tpu.vector_store %arg3[%swap3A_36, %swap3A_37, %swap3A_38], %swap3A_41 {strides = array<i32>} : memref<2x1x576xi32, #tpu.memory_space<vmem>>, vector<1x1x576xi32>,
    return
  }
  func.func @transform_0(%arg0: i32) -> (i32, i32, i32) {
    %c0_i32 = arith.constant 0 : i32
    %c0_i32_0 = arith.constant 0 : i32
    %c0_i32_1 = arith.constant 0 : i32
    return %arg0, %c0_i32, %c0_i32_0 : i32, i32, i32
  }
  func.func @transform_1(%arg0: i32) -> (i32, i32) {
    %c0_i32 = arith.constant 0 : i32
    %c0_i32_0 = arith.constant 0 : i32
    %c0_i32_1 = arith.constant 0 : i32
    return %c0_i32, %c0_i32_0 : i32, i32
  }
  func.func @transform_2(%arg0: i32) -> (i32, i32, i32) {
    %c0_i32 = arith.constant 0 : i32
    %c0_i32_0 = arith.constant 0 : i32
    %c0_i32_1 = arith.constant 0 : i32
    return %arg0, %c0_i32, %c0_i32_0 : i32, i32, i32
  }
}

</mosaic_0001>

<sc_bundles>
// kernel: kernel.5.cloned.1.call-start
scs
__scs_entry_jumppad:
0x0: {  	(pc) =	sbr.rel $0x88, $3  }
0x1: {  	(tag) =	ssettag $0x0;
	lr =	simm.s32 $0x1  }
0x2: {  	[smem:$0x3F9F] =	sst lr;
	_ =	strace $0xD0000000  }
0x3: {  	_ = 	snop  }
0x4: {  	_ = 	snop  }
0x5: {  	_ = 	snop  }
0x6: {  	_ = 	snop  }
0x7: {  	_ = 	snop  }
__scs_overlays_trampoline_lowered:
0x8: {  	[smem:$0x3FAE] =	sst s0  }
0x9: {  	[smem:$0x3FAF] =	sst s1  }
0xa: {  	[smem:$0x3FB0] =	sst s2  }
0xb: {  	[smem:$0x3FB1] =	sst s3  }
0xc: {  	[smem:$0x3FB2] =	sst s4  }
0xd: {  	[smem:$0x3FB3] =	sst s5  }
0xe: {  	[smem:$0x3FB4] =	sst s6  }
0xf: {  	[smem:$0x3FB5] =	sst s7  }
0x10: {  	[smem:$0x3FB6] =	sst s8  }
0x11: {  	[smem:$0x3FB7] =	sst s9;
	s0 =	simm.s32 @!p0 $0x0  }
0x12: {  	s1 =	sld [smem:$0x3F9D];
	s0 =	simm.s32 @p0 $0x1  }
0x13: {  	[smem:$0x3FB8] =	sst s0;
	s0 =	simm.s32 @!p1 $0x0  }
0x14: {  	s2 =	sld [smem:$0x3F9C];
	s0 =	simm.s32 @p1 $0x1  }
0x15: {  	[smem:$0x3FB9] =	sst s0;
	s0 =	simm.s32 @!p2 $0x0  }
0x16: {  	s3 =	sld [smem:$0x3FDB];
	s0 =	simm.s32 @p2 $0x1  }
0x17: {  	s4 =	simm.s32 $0x1BF5;
	[smem:$0x3FBB] =	sst s0  }
0x18: {  	s0 =	sld [smem:$0x3F9E];
	_ =	swait.ge [sflag:s4], $0x0  }
0x19: {  	s7 =	sld [smem:$0x3F9F]  }
0x1a: {  	s8 =	sadd.s32 $0xFFFFE003, lr  }
0x1b: {  	s9 =	sadd.s32 $0xFFFFFEF7, lr;
	s5 =	simm.s32 $0xFFFFFFFF;
	p2 =	slt.u32 s8, $0xFFFFF086  }
0x1c: {  	p1 =	slt.u32 s9, $0xF7A;
	s5 =	simm.s32 @!p2 $0x0  }
0x1d: {  	s5 =	simm.s32 @p1 $0x1;
	p0 =	seq.s32 s7, s2  }
0x1e: {  	s7 =	smul.u32 @!p0 $0xF7A, s2;
	p2 =	seq.s32 @!p0 s5, $0x0  }
0x1f: {  	s9 =	smul.u32 $0xF7A, s1;
	s8 =	simm.s32 @!p0 $0x1BF5;
	p2 =	por !p2, p0  }
0x20: {  	[sflag:s8] =	ssyncset.s32 @!p0 $0xFFFFF086;
	s6 =	sadd.s32 @!p0 s3, s7;
	s7 =	simm.s32 @!p0 $0x108  }
0x21: {  	s3 =	sadd.s32 s3, s9;
	s6 =	sadd.s32 @!p0 $0x88, s6;
	s7 =	simm.s32 @p2 $0x1082  }
0x22: {  	[simem:s7], [sflag:s8] =	dma.local @!p0 [hbm:s6], $0xF7A  }
0x23: {  	s9 =	sor.u32 $0xD0000000, s2;
	s6 =	simm.s32 $0x108;
	_ =	swait.ge @!p0 [sflag:s8], $0x0  }
0x24: {  	s3 =	sadd.s32 $0x88, s3;
	s6 =	simm.s32 @!p1 $0x1082;
	[sflag:s4] =	ssyncset.s32 $0xFFFFF086  }
0x25: {  	[simem:s6], [sflag:s4] =	dma.local [hbm:s3], $0xF7A  }
0x26: {  	[smem:$0x3F9F] =	sst s1;
	(tag) =	ssettag s2;
	_ =	strace s9  }
0x27: {  	s1 =	sld [smem:$0x3FAF]  }
0x28: {  	s2 =	sld [smem:$0x3FB0]  }
0x29: {  	s4 =	sld [smem:$0x3FB2]  }
0x2a: {  	p0 =	seq.s32 s5, $0x0;
	s5 =	sld [smem:$0x3FB3]  }
0x2b: {  	s6 =	sld [smem:$0x3FB4]  }
0x2c: {  	s7 =	sld [smem:$0x3FB5]  }
0x2d: {  	s3 =	simm.s32 $0x108;
	s8 =	sld [smem:$0x3FB6]  }
0x2e: {  	s3 =	simm.s32 @!p0 $0x1082;
	s9 =	sld [smem:$0x3FB7]  }
0x2f: {  	lr =	sadd.s32 s0, s3;
	s0 =	sld [smem:$0x3FAE]  }
0x30: {  	s3 =	sld [smem:$0x3FB1]  }
0x31: {  	[smem:$0x3FBA] =	sst s10  }
0x32: {  	s10 =	sld [smem:$0x3FB8];
	_ =	sdelay $0x3  }
0x33: {  	p0 =	seq.s32 s10, $0x1;
	s10 =	sld [smem:$0x3FBA];
	_ =	sdelay $0x3  }
0x34: {  	[smem:$0x3FBA] =	sst s10  }
0x35: {  	s10 =	sld [smem:$0x3FB9];
	_ =	sdelay $0x3  }
0x36: {  	p1 =	seq.s32 s10, $0x1;
	s10 =	sld [smem:$0x3FBA];
	_ =	sdelay $0x3  }
0x37: {  	[smem:$0x3FBA] =	sst s10  }
0x38: {  	s10 =	sld [smem:$0x3FBB]  }
0x39: {  	_ = 	snop;
	(pc) =	sbr.ind lr, $3  }
0x3a: {  	_ = 	snop  }
0x3b: {  	_ = 	snop  }
0x3c: {  	p2 =	seq.s32 s10, $0x1;
	s10 =	sld [smem:$0x3FBA]  }
0x3d: {  	_ =	shalt  }
0x3e: {  	_ =	shalt  }
0x3f: {  	_ =	shalt  }
0x40: {  	_ =	shalt  }
0x41: {  	_ =	shalt  }
0x42: {  	_ =	shalt  }
0x43: {  	_ =	shalt  }
0x44: {  	_ =	shalt  }
0x45: {  	_ =	shalt  }
0x46: {  	_ =	shalt  }
0x47: {  	_ =	shalt  }
0x48: {  	_ =	shalt  }
0x49: {  	_ =	shalt  }
0x4a: {  	_ =	shalt  }
0x4b: {  	_ =	shalt  }
0x4c: {  	_ =	shalt  }
0x4d: {  	_ =	shalt  }
0x4e: {  	_ =	shalt  }
0x4f: {  	_ =	shalt  }
0x50: {  	_ =	shalt  }
0x51: {  	_ =	shalt  }
0x52: {  	_ =	shalt  }
0x53: {  	_ =	shalt  }
0x54: {  	_ =	shalt  }
0x55: {  	_ =	shalt  }
0x56: {  	_ =	shalt  }
0x57: {  	_ =	shalt  }
0x58: {  	_ =	shalt  }
0x59: {  	_ =	shalt  }
0x5a: {  	_ =	shalt  }
0x5b: {  	_ =	shalt  }
0x5c: {  	_ =	shalt  }
0x5d: {  	_ =	shalt  }
0x5e: {  	_ =	shalt  }
0x5f: {  	_ =	shalt  }
0x60: {  	_ =	shalt  }
0x61: {  	_ =	shalt  }
0x62: {  	_ =	shalt  }
0x63: {  	_ =	shalt  }
0x64: {  	_ =	shalt  }
0x65: {  	_ =	shalt  }
0x66: {  	_ =	shalt  }
0x67: {  	_ =	shalt  }
0x68: {  	_ =	shalt  }
0x69: {  	_ =	shalt  }
0x6a: {  	_ =	shalt  }
0x6b: {  	_ =	shalt  }
0x6c: {  	_ =	shalt  }
0x6d: {  	_ =	shalt  }
0x6e: {  	_ =	shalt  }
0x6f: {  	_ =	shalt  }
0x70: {  	_ =	shalt  }
0x71: {  	_ =	shalt  }
0x72: {  	_ =	shalt  }
0x73: {  	_ =	shalt  }
0x74: {  	_ =	shalt  }
0x75: {  	_ =	shalt  }
0x76: {  	_ =	shalt  }
0x77: {  	_ =	shalt  }
0x78: {  	_ =	shalt  }
0x79: {  	_ =	shalt  }
0x7a: {  	_ =	shalt  }
0x7b: {  	_ =	shalt  }
0x7c: {  	_ =	shalt  }
0x7d: {  	_ =	shalt  }
0x7e: {  	_ =	shalt  }
0x7f: {  	_ =	shalt  }
0x80: {  	_ =	shalt  }
0x81: {  	_ =	shalt  }
0x82: {  	_ =	shalt  }
0x83: {  	_ =	shalt  }
0x84: {  	_ =	shalt  }
0x85: {  	_ =	shalt  }
0x86: {  	_ =	shalt  }
0x87: {  	_ =	shalt  }
.Lfunc_end0:
.L_simem_size_0:
called_computation_lowered:
.L_overlay_start_0:
0x88: {  	s2 =	sld [smem:$0x3FD9]  }
0x89: {  	s3 =	sld [smem:$0x3FFE];
	_ =	sdelay $0x1  }
0x8a: {  	s1 =	srdreg.scid  }
0x8b: {  	s0 =	sand.u32 $0x1, s1  }
0x8c: {  	s17 =	sshll.u32 s0, $0xA;
	s2 =	sadd.s32 s3, s2  }
0x8d: {  	s2 =	sadd.s32 s2, s17  }
0x8e: {  	[smem:$0x3FC6] =	sst s2  }
0x8f: {  	_ = 	snop  }
0x90: {  	s2 =	sld [smem:$0x3FD0];
	(tm) =	ssettm $0x1  }
0x91: {  	s18 =	sld [smem:$0x3FFB];
	_ =	sdelay $0x3  }
0x92: {  	_ =	strace s18  }
0x93: {  	s3 =	sld [smem:$0x3FFC];
	_ =	sdelay $0x3  }
0x94: {  	_ =	strace s3  }
0x95: {  	s3 =	sld [smem:$0x3FFD];
	_ =	sdelay $0x3  }
0x96: {  	_ =	strace s3  }
0x97: {  	_ =	strace $0x8FFFFFFF  }
0x98: {  	s19 =	sld [smem:$0x3FDB];
	_ =	sdelay $0x1  }
0x99: {  	s4 =	simm.s32 $_scs_section_size  }
0x9a: {  	s5 =	simm.s32 $_size__tile_overlayer_lowered;
	s6 =	simm.s32 $_tile_overlayer_lowered  }
0x9b: {  	s22 =	simm.s32 $0x1BFF;
	s21 =	sshll.u32 s6, $0x1;
	s3 =	sadd.s32 s4, s19  }
0x9c: {  	s7 =	simm.s32 $0x0;
	s20 =	sshll.u32 s5, $0x1;
	s5 =	sadd.s32 s21, s3  }
0x9d: {  	[timem:s7], [sflag:s22] =	dma.local [hbm:s5], s20  }
0x9e: {  	_ =	swait.ge [sflag:s22], s20  }
0x9f: {  	s4 =	ssub.s32 $0x0, s20;
	[sflag:s22] =	ssyncset.done $0x0  }
0xa0: {  	[sflag:s22] =	ssyncadd.s32 s4;
	_ =	sdelay $0x1  }
0xa1: {  	s23 =	simm.s32 $0x1B8B  }
0xa2: {  	_ =	swait.ge [sflag:s23], $0x1  }
0xa3: {  	[sflag:s23] =	ssyncset.done $0x0  }
0xa4: {  	s25 =	simm.s32 $0x1B8E;
	s24 =	sld [smem:$0x3FFE];
	[sflag:s23] =	ssyncadd.s32 $0xFFFFFFFF  }
0xa5: {  	s26 =	simm.s32 $execute0_lowered;
	[smem:$0x3FD2] =	sst s25  }
0xa6: {  	s5 =	sshll.u32 s26, $0x1;
	_ =	strace $0x80000046;
	[dreg:$0x1] =	wrdreg $0xFFFFFFFF  }
0xa7: {  	s28 =	simm.s32 $_size_execute0_lowered;
	s3 =	sadd.s32 s3, s5;
	[dreg:$0x0] =	wrdreg $0x0  }
0xa8: {  	s5 =	sshll.u32 s28, $0x1;
	[dreg:$0x2] =	wrdreg s3  }
0xa9: {  	[dreg:$0x3] =	wrdreg s5  }
0xaa: {  	[dreg:$0x4] =	wrdreg $0xC0  }
0xab: {  	_ =	task [dreg:s7], $0x5FFFF  }
0xac: {  	[dreg:$0x1] =	wrdreg $0xFFFFFFFF  }
0xad: {  	[dreg:$0x0] =	wrdreg $0x60  }
0xae: {  	[dreg:$0x2] =	wrdreg s24  }
0xaf: {  	[dreg:$0x3] =	wrdreg s2  }
0xb0: {  	[dreg:$0x4] =	wrdreg $0x9  }
0xb1: {  	_ =	task.clear_ibuf [dreg:s7], $0x5FFFF;
	_ =	strace $0x90000046  }
0xb2: {  	s29 =	simm.s32 $0x9;
	_ =	strace $0x80000048  }
0xb3: {  	_ =	swait.ge [sflag:s29], $0x1  }
0xb4: {  	[sflag:s29] =	ssyncadd.s32 $0xFFFFFFFF  }
0xb5: {  	_ =	strace $0x90000048  }
0xb6: {  	_ =	sfence  }
0xb7: {  	s30 =	sld [smem:$0x0];
	_ =	sdelay $0x2  }
0xb8: {  	s31 =	sshll.u32 s1, $0xD;
	s1 =	sshrl.u32 s1, $0x2  }
0xb9: {  	s3 =	sand.u32 $0x4000, s31;
	s1 =	sadd.s32 s1, s30  }
0xba: {  	s0 =	sor.u32 s3, s0;
	s1 =	sshll.u32 s1, $0x11  }
0xbb: {  	s0 =	sor.u32 s1, s0  }
0xbc: {  	s0 =	sadd.s32 $0x8F2B, s0  }
0xbd: {  	[sflag:s0] =	ssyncadd.remote.s32 $0x1  }
0xbe: {  	_ =	sfence.sel $0xFFFF  }
0xbf: {  	[dreg:$0x0] =	wrdreg $0xFFFFFFFF;
	(pc) =	sbr.abs _section_cstart, $3  }
0xc0: {  	[dreg:$0x1] =	wrdreg $0xFFFFFFFF  }
0xc1: {  	_ =	task.clear_ibuf [dreg:s7], $0x2FFFF;
	_ =	strace $0x9FFFFFFF  }
0xc2: {  	(tm) =	ssettm $0x7FFFFFFF  }
0xc3: {  	_ =	shalt  }
tec
execute0_lowered:
.L_overlay_start_1:
0x0: {  	(tag) =	ssettag $0x1  }
0x1: {  	s3 =	srdreg.scid;
	s1 =	stileid.u32  }
0x2: {  	s4 =	rddreg [dreg:$0x0];
	v0 =	vlaneseq.u32;
	s6 =	sand.u32 $0x1, s3;
	s28 =	sshll.u32 s1, $0x1  }
0x3: {  	s5 =	rddreg [dreg:$0x1];
	v1 =	vand.u32 $0x7, v0;
	v0 =	vmul.u32 $0x10, v0;
	s7 =	sor.u32 s6, s28  }
0x4: {  	s0 =	rddreg [dreg:$0x2];
	s2 =	simm.s32 $0x0;
	s8 =	smul.u32 $0xD800, s7  }
0x5: {  	[smem:$0x7FF] =	sst s2;
	v1 =	vmul.u32 $0x10, v1;
	s29 =	ssub.s32 $0x2, s6;
	s30 =	smul.u32 $0x1B0, s7;
	v2 =	vor.u32 $0x1, v0  }
0x6: {  	s3 =	sadd.s32 $0x400, s4;
	v3 =	vor.u32 $0x2, v0;
	v4 =	vor.u32 $0x3, v0;
	s10 =	sshrl.u32 s29, $0x1;
	s7 =	smul.u32 $0x1B00, s7;
	v5 =	vor.u32 $0x4, v0  }
0x7: {  	s9 =	sadd.s32 $0xC00, s4;
	_ =	strace $0x80000047;
	v6 =	vor.u32 $0x5, v0;
	v7 =	vor.u32 $0x6, v0;
	v8 =	vor.u32 $0x7, v0;
	s10 =	ssub.s32 s29, s10  }
0x8: {  	v9 =	vor.u32 $0x8, v0;
	v10 =	vor.u32 $0x9, v0;
	v11 =	vor.u32 $0xA, v0;
	s8 =	sshrl.u32 s8, $0x3;
	s4 =	sadd.s32 s5, s30;
	s5 =	sadd.s32 s9, s7  }
0x9: {  	v12 =	vor.u32 $0xB, v0;
	v13 =	vor.u32 $0xC, v0;
	v14 =	vor.u32 $0xD, v0;
	s7 =	smax.u32 s10, $0x1;
	s10 =	simm.s32 $0x0;
	s31 =	sadd.s32 s9, s8  }
0xa: {  	v15 =	vor.u32 $0xE, v0;
	v16 =	vor.u32 $0xF, v0;
	v1 =	vor.u32 $0xFFFFFF80, v1;
	s8 =	simm.s32 $0x1;
	s9 =	simm.s32 $0x4D80;
	s6 =	sadd.s32 $0xD80, s31  }
.LBB2_1:
0xb: {  	[tilespmem:s2], [sflag:$0x1] =	stream.linear.gather [hbm4b:s3+s2], $0x4000, $0x38;
	[tilespmem:$0xB980] =	vst v63  }
0xc: {  	_ =	swait.ge [sflag:s8], $0x4000  }
0xd: {  	[sflag:s8] =	ssyncset.done $0x0  }
0xe: {  	s11 =	simm.s32 $0x4000;
	[sflag:s8] =	ssyncadd.s32 $0xFFFFC000  }
0xf: {  	[tilespmem:s11], [sflag:$0x1] =	stream.linear.gather [hbm4b:s4+s2], $0xD80, $0x38;
	[tilespmem:$0xB980] =	vst v63  }
0x10: {  	_ =	swait.ge [sflag:s8], $0xD80  }
0x11: {  	[sflag:s8] =	ssyncset.done $0x0  }
0x12: {  	[sflag:s8] =	ssyncadd.s32 $0xFFFFF280  }
0x13: {  	v17 =	vld [tilespmem:s11+$0x0];
	_ =	sdelay $0x4  }
0x14: {  	v17 =	vshll.u32 v17, $0x4;
	_ =	sdelay $0x3  }
0x15: {  	v18 =	vor.u32 s2, v0  }
0x16: {  	v18 =	vand.u32 v1, v18;
	v19 =	vld.idx.msk [tilespmem:v17+s2+$0x0], $0xffff  }
0x17: {  	v20 =	vor.u32 $0x1, v17;
	_ =	sdelay $0x3  }
0x18: {  	[tilespmem:v18+s9+$0x0] =	vst.idx.msk $0xffff, v19  }
0x19: {  	v19 =	vor.u32 s2, v2;
	v18 =	vld.idx.msk [tilespmem:v20+s2+$0x0], $0xffff  }
0x1a: {  	v20 =	vor.u32 $0x2, v17;
	_ =	sdelay $0x3  }
0x1b: {  	[tilespmem:v19+s9+$0x0] =	vst.idx.msk $0xffff, v18  }
0x1c: {  	v19 =	vor.u32 s2, v3;
	v18 =	vld.idx.msk [tilespmem:v20+s2+$0x0], $0xffff  }
0x1d: {  	v20 =	vor.u32 $0x3, v17;
	_ =	sdelay $0x3  }
0x1e: {  	[tilespmem:v19+s9+$0x0] =	vst.idx.msk $0xffff, v18  }
0x1f: {  	v19 =	vor.u32 s2, v4;
	v18 =	vld.idx.msk [tilespmem:v20+s2+$0x0], $0xffff  }
0x20: {  	v20 =	vor.u32 $0x4, v17;
	_ =	sdelay $0x3  }
0x21: {  	[tilespmem:v19+s9+$0x0] =	vst.idx.msk $0xffff, v18  }
0x22: {  	v19 =	vor.u32 s2, v5;
	v18 =	vld.idx.msk [tilespmem:v20+s2+$0x0], $0xffff  }
0x23: {  	v20 =	vor.u32 $0x5, v17;
	_ =	sdelay $0x3  }
0x24: {  	[tilespmem:v19+s9+$0x0] =	vst.idx.msk $0xffff, v18  }
0x25: {  	v19 =	vor.u32 s2, v6;
	v18 =	vld.idx.msk [tilespmem:v20+s2+$0x0], $0xffff  }
0x26: {  	v20 =	vor.u32 $0x6, v17;
	_ =	sdelay $0x3  }
0x27: {  	[tilespmem:v19+s9+$0x0] =	vst.idx.msk $0xffff, v18  }
0x28: {  	v19 =	vor.u32 s2, v7;
	v18 =	vld.idx.msk [tilespmem:v20+s2+$0x0], $0xffff  }
0x29: {  	v20 =	vor.u32 $0x7, v17;
	_ =	sdelay $0x3  }
0x2a: {  	[tilespmem:v19+s9+$0x0] =	vst.idx.msk $0xffff, v18  }
0x2b: {  	v19 =	vor.u32 s2, v8;
	v18 =	vld.idx.msk [tilespmem:v20+s2+$0x0], $0xffff  }
0x2c: {  	v20 =	vor.u32 $0x8, v17;
	_ =	sdelay $0x3  }
0x2d: {  	[tilespmem:v19+s9+$0x0] =	vst.idx.msk $0xffff, v18  }
0x2e: {  	v19 =	vor.u32 s2, v9;
	v18 =	vld.idx.msk [tilespmem:v20+s2+$0x0], $0xffff  }
0x2f: {  	v20 =	vor.u32 $0x9, v17;
	_ =	sdelay $0x3  }
0x30: {  	[tilespmem:v19+s9+$0x0] =	vst.idx.msk $0xffff, v18  }
0x31: {  	v19 =	vor.u32 s2, v10;
	v18 =	vld.idx.msk [tilespmem:v20+s2+$0x0], $0xffff  }
0x32: {  	v20 =	vor.u32 $0xA, v17;
	_ =	sdelay $0x3  }
0x33: {  	[tilespmem:v19+s9+$0x0] =	vst.idx.msk $0xffff, v18  }
0x34: {  	v19 =	vor.u32 s2, v11;
	v18 =	vld.idx.msk [tilespmem:v20+s2+$0x0], $0xffff  }
0x35: {  	v20 =	vor.u32 $0xB, v17;
	_ =	sdelay $0x3  }
0x36: {  	[tilespmem:v19+s9+$0x0] =	vst.idx.msk $0xffff, v18  }
0x37: {  	v19 =	vor.u32 s2, v12;
	v18 =	vld.idx.msk [tilespmem:v20+s2+$0x0], $0xffff  }
0x38: {  	v20 =	vor.u32 $0xC, v17;
	_ =	sdelay $0x3  }
0x39: {  	[tilespmem:v19+s9+$0x0] =	vst.idx.msk $0xffff, v18  }
0x3a: {  	v19 =	vor.u32 s2, v13;
	v18 =	vld.idx.msk [tilespmem:v20+s2+$0x0], $0xffff  }
0x3b: {  	v20 =	vor.u32 $0xD, v17;
	_ =	sdelay $0x3  }
0x3c: {  	[tilespmem:v19+s9+$0x0] =	vst.idx.msk $0xffff, v18  }
0x3d: {  	v19 =	vor.u32 s2, v14;
	v18 =	vld.idx.msk [tilespmem:v20+s2+$0x0], $0xffff  }
0x3e: {  	v20 =	vor.u32 $0xE, v17;
	_ =	sdelay $0x3  }
0x3f: {  	[tilespmem:v19+s9+$0x0] =	vst.idx.msk $0xffff, v18  }
0x40: {  	v19 =	vor.u32 s2, v15;
	v18 =	vld.idx.msk [tilespmem:v20+s2+$0x0], $0xffff  }
0x41: {  	v17 =	vor.u32 $0xF, v17;
	_ =	sdelay $0x3  }
0x42: {  	[tilespmem:v19+s9+$0x0] =	vst.idx.msk $0xffff, v18  }
0x43: {  	s12 =	simm.s32 $0x100;
	v18 =	vor.u32 s2, v16;
	v17 =	vld.idx.msk [tilespmem:v17+s2+$0x0], $0xffff  }
.LBB2_2:
0x44: {  	_ =	sdelay $0x2  }
0x45: {  	p0 =	sne.s32 s12, $0x6B00  }
0x46: {  	s11 =	sadd.s32 $0x10, s11;
	s13 =	smov.u32 s12;
	s12 =	sadd.s32 $0x100, s12;
	[tilespmem:v18+s9+$0x0] =	vst.idx.msk $0xffff, v17  }
0x47: {  	v17 =	vld [tilespmem:s11+$0x0];
	_ =	sdelay $0x4  }
0x48: {  	v17 =	vshll.u32 v17, $0x4;
	_ =	sdelay $0x4  }
0x49: {  	v18 =	vor.u32 s13, v0;
	v19 =	vld.idx.msk [tilespmem:v17+s2+$0x0], $0xffff  }
0x4a: {  	v18 =	vand.u32 v1, v18  }
0x4b: {  	v20 =	vor.u32 $0x1, v17;
	_ =	sdelay $0x3  }
0x4c: {  	[tilespmem:v18+s9+$0x0] =	vst.idx.msk $0xffff, v19  }
0x4d: {  	v18 =	vld.idx.msk [tilespmem:v20+s2+$0x0], $0xffff  }
0x4e: {  	v19 =	vor.u32 s13, v2  }
0x4f: {  	v20 =	vor.u32 $0x2, v17;
	_ =	sdelay $0x3  }
0x50: {  	[tilespmem:v19+s9+$0x0] =	vst.idx.msk $0xffff, v18  }
0x51: {  	v18 =	vld.idx.msk [tilespmem:v20+s2+$0x0], $0xffff  }
0x52: {  	v19 =	vor.u32 s13, v3  }
0x53: {  	v20 =	vor.u32 $0x3, v17;
	_ =	sdelay $0x3  }
0x54: {  	[tilespmem:v19+s9+$0x0] =	vst.idx.msk $0xffff, v18  }
0x55: {  	v18 =	vld.idx.msk [tilespmem:v20+s2+$0x0], $0xffff  }
0x56: {  	v19 =	vor.u32 s13, v4  }
0x57: {  	v20 =	vor.u32 $0x4, v17;
	_ =	sdelay $0x3  }
0x58: {  	[tilespmem:v19+s9+$0x0] =	vst.idx.msk $0xffff, v18  }
0x59: {  	v18 =	vld.idx.msk [tilespmem:v20+s2+$0x0], $0xffff  }
0x5a: {  	v19 =	vor.u32 s13, v5  }
0x5b: {  	v20 =	vor.u32 $0x5, v17;
	_ =	sdelay $0x3  }
0x5c: {  	[tilespmem:v19+s9+$0x0] =	vst.idx.msk $0xffff, v18  }
0x5d: {  	v18 =	vld.idx.msk [tilespmem:v20+s2+$0x0], $0xffff  }
0x5e: {  	v19 =	vor.u32 s13, v6  }
0x5f: {  	v20 =	vor.u32 $0x6, v17;
	_ =	sdelay $0x3  }
0x60: {  	[tilespmem:v19+s9+$0x0] =	vst.idx.msk $0xffff, v18  }
0x61: {  	v18 =	vld.idx.msk [tilespmem:v20+s2+$0x0], $0xffff  }
0x62: {  	v19 =	vor.u32 s13, v7  }
0x63: {  	v20 =	vor.u32 $0x7, v17;
	_ =	sdelay $0x3  }
0x64: {  	[tilespmem:v19+s9+$0x0] =	vst.idx.msk $0xffff, v18  }
0x65: {  	v18 =	vld.idx.msk [tilespmem:v20+s2+$0x0], $0xffff  }
0x66: {  	v19 =	vor.u32 s13, v8  }
0x67: {  	v20 =	vor.u32 $0x8, v17;
	_ =	sdelay $0x3  }
0x68: {  	[tilespmem:v19+s9+$0x0] =	vst.idx.msk $0xffff, v18  }
0x69: {  	v18 =	vld.idx.msk [tilespmem:v20+s2+$0x0], $0xffff  }
0x6a: {  	v19 =	vor.u32 s13, v9  }
0x6b: {  	v20 =	vor.u32 $0x9, v17;
	_ =	sdelay $0x3  }
0x6c: {  	[tilespmem:v19+s9+$0x0] =	vst.idx.msk $0xffff, v18  }
0x6d: {  	v18 =	vld.idx.msk [tilespmem:v20+s2+$0x0], $0xffff  }
0x6e: {  	v19 =	vor.u32 s13, v10  }
0x6f: {  	v20 =	vor.u32 $0xA, v17;
	_ =	sdelay $0x3  }
0x70: {  	[tilespmem:v19+s9+$0x0] =	vst.idx.msk $0xffff, v18  }
0x71: {  	v18 =	vld.idx.msk [tilespmem:v20+s2+$0x0], $0xffff  }
0x72: {  	v19 =	vor.u32 s13, v11  }
0x73: {  	v20 =	vor.u32 $0xB, v17;
	_ =	sdelay $0x3  }
0x74: {  	[tilespmem:v19+s9+$0x0] =	vst.idx.msk $0xffff, v18  }
0x75: {  	v18 =	vld.idx.msk [tilespmem:v20+s2+$0x0], $0xffff  }
0x76: {  	v19 =	vor.u32 s13, v12  }
0x77: {  	v20 =	vor.u32 $0xC, v17;
	_ =	sdelay $0x3  }
0x78: {  	[tilespmem:v19+s9+$0x0] =	vst.idx.msk $0xffff, v18  }
0x79: {  	v18 =	vld.idx.msk [tilespmem:v20+s2+$0x0], $0xffff  }
0x7a: {  	v19 =	vor.u32 s13, v13  }
0x7b: {  	v20 =	vor.u32 $0xD, v17;
	_ =	sdelay $0x3  }
0x7c: {  	[tilespmem:v19+s9+$0x0] =	vst.idx.msk $0xffff, v18  }
0x7d: {  	v18 =	vld.idx.msk [tilespmem:v20+s2+$0x0], $0xffff  }
0x7e: {  	v19 =	vor.u32 s13, v14  }
0x7f: {  	v20 =	vor.u32 $0xE, v17;
	_ =	sdelay $0x3  }
0x80: {  	[tilespmem:v19+s9+$0x0] =	vst.idx.msk $0xffff, v18  }
0x81: {  	v18 =	vld.idx.msk [tilespmem:v20+s2+$0x0], $0xffff  }
0x82: {  	v19 =	vor.u32 s13, v15  }
0x83: {  	v17 =	vor.u32 $0xF, v17;
	_ =	sdelay $0x1  }
.Ltmp0:
0x84: {  	(pc) =	sbr.rel @p0 .LBB2_2-.Ltmp0, $4  }
0x85: {  	_ = 	snop  }
0x86: {  	[tilespmem:v19+s9+$0x0] =	vst.idx.msk $0xffff, v18  }
0x87: {  	v17 =	vld.idx.msk [tilespmem:v17+s2+$0x0], $0xffff  }
0x88: {  	v18 =	vor.u32 s13, v16  }
0x89: {  	_ =	sdelay $0x3  }
0x8a: {  	s13 =	simm.s32 $0x0;
	[tilespmem:v18+s9+$0x0] =	vst.idx.msk $0xffff, v17  }
0x8b: {  	[hbm4b:s5+s13] =	stream.linear.scatter [tilespmem:s9], [sflag:$0x1], $0x6C00, $0x38;
	[tilespmem:$0xB980] =	vst v63  }
0x8c: {  	_ =	swait.ge [sflag:s8], $0x6C00  }
0x8d: {  	[sflag:s8] =	ssyncset.done $0x0  }
0x8e: {  	s11 =	simm.s32 $0x46C0;
	[sflag:s8] =	ssyncadd.s32 $0xFFFF9400  }
0x8f: {  	v17 =	vld [tilespmem:s11+$0x0];
	_ =	sdelay $0x4  }
0x90: {  	v17 =	vshll.u32 v17, $0x4;
	_ =	sdelay $0x3  }
0x91: {  	v18 =	vor.u32 s13, v0  }
0x92: {  	v18 =	vand.u32 v1, v18;
	v19 =	vld.idx.msk [tilespmem:v17+s2+$0x0], $0xffff  }
0x93: {  	v20 =	vor.u32 $0x1, v17;
	_ =	sdelay $0x3  }
0x94: {  	[tilespmem:v18+s9+$0x0] =	vst.idx.msk $0xffff, v19  }
0x95: {  	v19 =	vor.u32 s13, v2;
	v18 =	vld.idx.msk [tilespmem:v20+s2+$0x0], $0xffff  }
0x96: {  	v20 =	vor.u32 $0x2, v17;
	_ =	sdelay $0x3  }
0x97: {  	[tilespmem:v19+s9+$0x0] =	vst.idx.msk $0xffff, v18  }
0x98: {  	v19 =	vor.u32 s13, v3;
	v18 =	vld.idx.msk [tilespmem:v20+s2+$0x0], $0xffff  }
0x99: {  	v20 =	vor.u32 $0x3, v17;
	_ =	sdelay $0x3  }
0x9a: {  	[tilespmem:v19+s9+$0x0] =	vst.idx.msk $0xffff, v18  }
0x9b: {  	v19 =	vor.u32 s13, v4;
	v18 =	vld.idx.msk [tilespmem:v20+s2+$0x0], $0xffff  }
0x9c: {  	v20 =	vor.u32 $0x4, v17;
	_ =	sdelay $0x3  }
0x9d: {  	[tilespmem:v19+s9+$0x0] =	vst.idx.msk $0xffff, v18  }
0x9e: {  	v19 =	vor.u32 s13, v5;
	v18 =	vld.idx.msk [tilespmem:v20+s2+$0x0], $0xffff  }
0x9f: {  	v20 =	vor.u32 $0x5, v17;
	_ =	sdelay $0x3  }
0xa0: {  	[tilespmem:v19+s9+$0x0] =	vst.idx.msk $0xffff, v18  }
0xa1: {  	v19 =	vor.u32 s13, v6;
	v18 =	vld.idx.msk [tilespmem:v20+s2+$0x0], $0xffff  }
0xa2: {  	v20 =	vor.u32 $0x6, v17;
	_ =	sdelay $0x3  }
0xa3: {  	[tilespmem:v19+s9+$0x0] =	vst.idx.msk $0xffff, v18  }
0xa4: {  	v19 =	vor.u32 s13, v7;
	v18 =	vld.idx.msk [tilespmem:v20+s2+$0x0], $0xffff  }
0xa5: {  	v20 =	vor.u32 $0x7, v17;
	_ =	sdelay $0x3  }
0xa6: {  	[tilespmem:v19+s9+$0x0] =	vst.idx.msk $0xffff, v18  }
0xa7: {  	v19 =	vor.u32 s13, v8;
	v18 =	vld.idx.msk [tilespmem:v20+s2+$0x0], $0xffff  }
0xa8: {  	v20 =	vor.u32 $0x8, v17;
	_ =	sdelay $0x3  }
0xa9: {  	[tilespmem:v19+s9+$0x0] =	vst.idx.msk $0xffff, v18  }
0xaa: {  	v19 =	vor.u32 s13, v9;
	v18 =	vld.idx.msk [tilespmem:v20+s2+$0x0], $0xffff  }
0xab: {  	v20 =	vor.u32 $0x9, v17;
	_ =	sdelay $0x3  }
0xac: {  	[tilespmem:v19+s9+$0x0] =	vst.idx.msk $0xffff, v18  }
0xad: {  	v19 =	vor.u32 s13, v10;
	v18 =	vld.idx.msk [tilespmem:v20+s2+$0x0], $0xffff  }
0xae: {  	v20 =	vor.u32 $0xA, v17;
	_ =	sdelay $0x3  }
0xaf: {  	[tilespmem:v19+s9+$0x0] =	vst.idx.msk $0xffff, v18  }
0xb0: {  	v19 =	vor.u32 s13, v11;
	v18 =	vld.idx.msk [tilespmem:v20+s2+$0x0], $0xffff  }
0xb1: {  	v20 =	vor.u32 $0xB, v17;
	_ =	sdelay $0x3  }
0xb2: {  	[tilespmem:v19+s9+$0x0] =	vst.idx.msk $0xffff, v18  }
0xb3: {  	v19 =	vor.u32 s13, v12;
	v18 =	vld.idx.msk [tilespmem:v20+s2+$0x0], $0xffff  }
0xb4: {  	v20 =	vor.u32 $0xC, v17;
	_ =	sdelay $0x3  }
0xb5: {  	[tilespmem:v19+s9+$0x0] =	vst.idx.msk $0xffff, v18  }
0xb6: {  	v19 =	vor.u32 s13, v13;
	v18 =	vld.idx.msk [tilespmem:v20+s2+$0x0], $0xffff  }
0xb7: {  	v20 =	vor.u32 $0xD, v17;
	_ =	sdelay $0x3  }
0xb8: {  	[tilespmem:v19+s9+$0x0] =	vst.idx.msk $0xffff, v18  }
0xb9: {  	v19 =	vor.u32 s13, v14;
	v18 =	vld.idx.msk [tilespmem:v20+s2+$0x0], $0xffff  }
0xba: {  	v20 =	vor.u32 $0xE, v17;
	_ =	sdelay $0x3  }
0xbb: {  	[tilespmem:v19+s9+$0x0] =	vst.idx.msk $0xffff, v18  }
0xbc: {  	v19 =	vor.u32 s13, v15;
	v18 =	vld.idx.msk [tilespmem:v20+s2+$0x0], $0xffff  }
0xbd: {  	v17 =	vor.u32 $0xF, v17;
	_ =	sdelay $0x3  }
0xbe: {  	[tilespmem:v19+s9+$0x0] =	vst.idx.msk $0xffff, v18  }
0xbf: {  	s12 =	simm.s32 $0x100;
	v18 =	vor.u32 s13, v16;
	v17 =	vld.idx.msk [tilespmem:v17+s2+$0x0], $0xffff  }
.LBB2_4:
0xc0: {  	_ =	sdelay $0x2  }
0xc1: {  	p0 =	sne.s32 s12, $0x6B00  }
0xc2: {  	s11 =	sadd.s32 $0x10, s11;
	s13 =	smov.u32 s12;
	s12 =	sadd.s32 $0x100, s12;
	[tilespmem:v18+s9+$0x0] =	vst.idx.msk $0xffff, v17  }
0xc3: {  	v17 =	vld [tilespmem:s11+$0x0];
	_ =	sdelay $0x4  }
0xc4: {  	v17 =	vshll.u32 v17, $0x4;
	_ =	sdelay $0x4  }
0xc5: {  	v18 =	vor.u32 s13, v0;
	v19 =	vld.idx.msk [tilespmem:v17+s2+$0x0], $0xffff  }
0xc6: {  	v18 =	vand.u32 v1, v18  }
0xc7: {  	v20 =	vor.u32 $0x1, v17;
	_ =	sdelay $0x3  }
0xc8: {  	[tilespmem:v18+s9+$0x0] =	vst.idx.msk $0xffff, v19  }
0xc9: {  	v18 =	vld.idx.msk [tilespmem:v20+s2+$0x0], $0xffff  }
0xca: {  	v19 =	vor.u32 s13, v2  }
0xcb: {  	v20 =	vor.u32 $0x2, v17;
	_ =	sdelay $0x3  }
0xcc: {  	[tilespmem:v19+s9+$0x0] =	vst.idx.msk $0xffff, v18  }
0xcd: {  	v18 =	vld.idx.msk [tilespmem:v20+s2+$0x0], $0xffff  }
0xce: {  	v19 =	vor.u32 s13, v3  }
0xcf: {  	v20 =	vor.u32 $0x3, v17;
	_ =	sdelay $0x3  }
0xd0: {  	[tilespmem:v19+s9+$0x0] =	vst.idx.msk $0xffff, v18  }
0xd1: {  	v18 =	vld.idx.msk [tilespmem:v20+s2+$0x0], $0xffff  }
0xd2: {  	v19 =	vor.u32 s13, v4  }
0xd3: {  	v20 =	vor.u32 $0x4, v17;
	_ =	sdelay $0x3  }
0xd4: {  	[tilespmem:v19+s9+$0x0] =	vst.idx.msk $0xffff, v18  }
0xd5: {  	v18 =	vld.idx.msk [tilespmem:v20+s2+$0x0], $0xffff  }
0xd6: {  	v19 =	vor.u32 s13, v5  }
0xd7: {  	v20 =	vor.u32 $0x5, v17;
	_ =	sdelay $0x3  }
0xd8: {  	[tilespmem:v19+s9+$0x0] =	vst.idx.msk $0xffff, v18  }
0xd9: {  	v18 =	vld.idx.msk [tilespmem:v20+s2+$0x0], $0xffff  }
0xda: {  	v19 =	vor.u32 s13, v6  }
0xdb: {  	v20 =	vor.u32 $0x6, v17;
	_ =	sdelay $0x3  }
0xdc: {  	[tilespmem:v19+s9+$0x0] =	vst.idx.msk $0xffff, v18  }
0xdd: {  	v18 =	vld.idx.msk [tilespmem:v20+s2+$0x0], $0xffff  }
0xde: {  	v19 =	vor.u32 s13, v7  }
0xdf: {  	v20 =	vor.u32 $0x7, v17;
	_ =	sdelay $0x3  }
0xe0: {  	[tilespmem:v19+s9+$0x0] =	vst.idx.msk $0xffff, v18  }
0xe1: {  	v18 =	vld.idx.msk [tilespmem:v20+s2+$0x0], $0xffff  }
0xe2: {  	v19 =	vor.u32 s13, v8  }
0xe3: {  	v20 =	vor.u32 $0x8, v17;
	_ =	sdelay $0x3  }
0xe4: {  	[tilespmem:v19+s9+$0x0] =	vst.idx.msk $0xffff, v18  }
0xe5: {  	v18 =	vld.idx.msk [tilespmem:v20+s2+$0x0], $0xffff  }
0xe6: {  	v19 =	vor.u32 s13, v9  }
0xe7: {  	v20 =	vor.u32 $0x9, v17;
	_ =	sdelay $0x3  }
0xe8: {  	[tilespmem:v19+s9+$0x0] =	vst.idx.msk $0xffff, v18  }
0xe9: {  	v18 =	vld.idx.msk [tilespmem:v20+s2+$0x0], $0xffff  }
0xea: {  	v19 =	vor.u32 s13, v10  }
0xeb: {  	v20 =	vor.u32 $0xA, v17;
	_ =	sdelay $0x3  }
0xec: {  	[tilespmem:v19+s9+$0x0] =	vst.idx.msk $0xffff, v18  }
0xed: {  	v18 =	vld.idx.msk [tilespmem:v20+s2+$0x0], $0xffff  }
0xee: {  	v19 =	vor.u32 s13, v11  }
0xef: {  	v20 =	vor.u32 $0xB, v17;
	_ =	sdelay $0x3  }
0xf0: {  	[tilespmem:v19+s9+$0x0] =	vst.idx.msk $0xffff, v18  }
0xf1: {  	v18 =	vld.idx.msk [tilespmem:v20+s2+$0x0], $0xffff  }
0xf2: {  	v19 =	vor.u32 s13, v12  }
0xf3: {  	v20 =	vor.u32 $0xC, v17;
	_ =	sdelay $0x3  }
0xf4: {  	[tilespmem:v19+s9+$0x0] =	vst.idx.msk $0xffff, v18  }
0xf5: {  	v18 =	vld.idx.msk [tilespmem:v20+s2+$0x0], $0xffff  }
0xf6: {  	v19 =	vor.u32 s13, v13  }
0xf7: {  	v20 =	vor.u32 $0xD, v17;
	_ =	sdelay $0x3  }
0xf8: {  	[tilespmem:v19+s9+$0x0] =	vst.idx.msk $0xffff, v18  }
0xf9: {  	v18 =	vld.idx.msk [tilespmem:v20+s2+$0x0], $0xffff  }
0xfa: {  	v19 =	vor.u32 s13, v14  }
0xfb: {  	v20 =	vor.u32 $0xE, v17;
	_ =	sdelay $0x3  }
0xfc: {  	[tilespmem:v19+s9+$0x0] =	vst.idx.msk $0xffff, v18  }
0xfd: {  	v18 =	vld.idx.msk [tilespmem:v20+s2+$0x0], $0xffff  }
0xfe: {  	v19 =	vor.u32 s13, v15  }
0xff: {  	v17 =	vor.u32 $0xF, v17;
	_ =	sdelay $0x1  }
.Ltmp1:
0x100: {  	(pc) =	sbr.rel @p0 .LBB2_4-.Ltmp1, $4  }
0x101: {  	_ = 	snop  }
0x102: {  	[tilespmem:v19+s9+$0x0] =	vst.idx.msk $0xffff, v18  }
0x103: {  	v17 =	vld.idx.msk [tilespmem:v17+s2+$0x0], $0xffff  }
0x104: {  	v18 =	vor.u32 s13, v16  }
0x105: {  	_ =	sdelay $0x1  }
0x106: {  	s10 =	sadd.s32 $0x1, s10  }
0x107: {  	p0 =	sne.s32 s10, s7  }
.Ltmp2:
0x108: {  	[tilespmem:v18+s9+$0x0] =	vst.idx.msk $0xffff, v17;
	(pc) =	sbr.rel @p0 .LBB2_1-.Ltmp2, $4  }
0x109: {  	[hbm4b:s6+s2] =	stream.linear.scatter [tilespmem:s9], [sflag:$0x1], $0x6C00, $0x38;
	[tilespmem:$0xB980] =	vst v63  }
0x10a: {  	_ =	swait.ge [sflag:s8], $0x6C00  }
0x10b: {  	[sflag:s8] =	ssyncset.done $0x0  }
0x10c: {  	[sflag:s8] =	ssyncadd.s32 $0xFFFF9400  }
0x10d: {  	_ =	sfence.sel $0x180000  }
0x10e: {  	[bflag:$0x0] =	sbarrier.arrive $0xFFFF  }
0x10f: {  	p0 =	sne.s32 s1, $0x0;
	_ =	strace $0x90000047  }
0x110: {  	s0 =	sadd.s32 @!p0 $0x100000, s0;
	[bflag:$0x2] =	sbarrier.arrive $0xFFFF  }
0x111: {  	[sflag:s0] =	ssyncadd.tile.s32 @!p0 $0x1;
	_ =	shalt  }
.Lfunc_end2:
_tile_overlayer_lowered:
.L_overlay_start_2:
0x112: {  	(tag) =	ssettag $0x2  }
0x113: {  	s0 =	rddreg [dreg:$0x0];
	s2 =	stileid.u32  }
0x114: {  	s1 =	rddreg [dreg:$0x1];
	p0 =	sne.s32 s2, $0x0  }
0x115: {  	s3 =	rddreg [dreg:$0x2];
	[bflag:$0x3] =	sbarrier.arrive $0xFFFF;
	s2 =	simm.s32 @!p0 $0x1C01  }
0x116: {  	[timem:s3], [sflag:s2] =	dma.local @!p0 [hbm:s0], s1  }
0x117: {  	s0 =	simm.s32 @!p0 $0x1  }
0x118: {  	_ =	swait.ge @!p0 [sflag:s0], s1  }
0x119: {  	s1 =	ssub.s32 @!p0 $0x0, s1;
	[sflag:s0] =	ssyncset.done @!p0 $0x0  }
0x11a: {  	[sflag:s0] =	ssyncadd.s32 @!p0 s1  }
0x11b: {  	[bflag:$0x3] =	sbarrier.arrive $0xFFFF  }
0x11c: {  	_ =	shalt  }

</sc_bundles>
